<compile_context>
chip_gen: v7x
topology: tpu7x:2x2x1
jax: 0.10.2.dev20260603
libtpu: 0.0.44.dev20260713+nightly
codegen_flags: <defaults>
</compile_context>

<pallas_src>
import functools

import numpy as np
import jax
import jax.numpy as jnp
from jax import lax
from jax.experimental import pallas as pl
from jax.experimental.pallas import tpu as pltpu
from jax.experimental.pallas import tpu_sc as plsc

_BATCH = 16
_MAX_LEN = 512
_H = 256
_VOCAB = 100000
_NS = 4
_ND = 8
_EMB = 64

_LENGTHS = (512 - 28 * np.arange(_BATCH)).astype(np.int64)
_BS = np.array([(_LENGTHS > t).sum() for t in range(_MAX_LEN)], dtype=np.int64)
_CUR = np.concatenate([[0], np.cumsum(_BS)]).astype(np.int32)
_TOTAL = int(_BS.sum())

_TPAD = 4864
_NW = 32
_PER_W = _TPAD // _NW
_NIDXW = _PER_W * _NS
_CHUNK = 256
_NCHUNK = _TPAD // _CHUNK

def _build_parity():
    par = np.zeros((_TPAD, 1), dtype=np.float32)
    for t in range(_MAX_LEN):
        c, bs = int(_CUR[t]), int(_BS[t])
        if t % 2 == 0:
            par[c:c + bs] = 1.0
    return par

_PARITY = _build_parity()

_NSLOT = 8448
_NSCHUNK = _NSLOT // _CHUNK
_PPAD = 5120
_WIN = 272

def _build_redist():
    cur_ext = np.concatenate(
        [_CUR[:_MAX_LEN + 1],
         np.full((_NSLOT // 16 - _MAX_LEN,), _CUR[_MAX_LEN])]).astype(np.int64)
    acol = []
    wcols = np.zeros((_NSLOT, 1), dtype=np.int32)
    for c in range(_NSCHUNK):
        a = int(cur_ext[16 * c]) // 8 * 8
        acol.append(a)
        for r in range(_CHUNK):
            t = 16 * c + r // 16
            w = int(cur_ext[t]) + (r % 16) - a
            assert 0 <= w < _WIN
            wcols[_CHUNK * c + r, 0] = w
        assert a + _WIN <= _PPAD
    return acol, wcols

_ACOL, _WCOLS = _build_redist()

_FSUB = [(0, 96), (96, 56)]
assert sum(n for _, n in _FSUB) == _PER_W


def _sc_gather_kernel(idx_hbm, table_hbm, out_hbm, idx_v, rows_v, sem):
    wid = lax.axis_index("s") * 2 + lax.axis_index("c")
    base = wid * _NIDXW
    pltpu.sync_copy(idx_hbm.at[pl.ds(base, _NIDXW)], idx_v)
    copies = []
    for j in range(_NS):
        for off, n in _FSUB:
            o = j * _PER_W + off
            copies.append(pltpu.async_copy(
                table_hbm.at[j].at[idx_v.at[pl.ds(o, n)]],
                rows_v.at[pl.ds(o, n)],
                sem,
            ))
    for cp in copies:
        cp.wait()
    row0 = wid * _PER_W
    for j in range(_NS):
        pltpu.sync_copy(
            rows_v.at[pl.ds(j * _PER_W, _PER_W)],
            out_hbm.at[pl.ds(row0, _PER_W), pl.ds(j * _EMB, _EMB)],
        )


def _sc_gather(idx, table):
    mesh = plsc.VectorSubcoreMesh(core_axis_name="c", subcore_axis_name="s")
    k = functools.partial(
        pl.kernel,
        out_type=jax.ShapeDtypeStruct((_TPAD, _H), jnp.float32),
        mesh=mesh,
        compiler_params=pltpu.CompilerParams(use_tc_tiling_on_sc=False),
        scratch_types=[
            pltpu.VMEM((_NIDXW,), jnp.int32),
            pltpu.VMEM((_NIDXW, _EMB), jnp.float32),
            pltpu.SemaphoreType.DMA,
        ],
    )(_sc_gather_kernel)
    return k(idx, table)


def _tc_body(wcol_ref, emb_ref, dense_ref, par_ref, wdt_ref, wet_ref, blin_ref,
             pee_ref, poe_ref, b0e_ref, b0o_ref, modd_ref, mevn_ref,
             b1odd_ref, b1evn_ref, wo_ref, bout_ref, out_ref, pre0, slots):
    def p1(c, carry):
        rows = pl.ds(pl.multiple_of(c * _CHUNK, _CHUNK), _CHUNK)
        x = (jnp.dot(dense_ref[rows, :], wdt_ref[...],
                     preferred_element_type=jnp.float32)
             + jnp.dot(emb_ref[rows, :].astype(jnp.bfloat16), wet_ref[...],
                       preferred_element_type=jnp.float32)
             + blin_ref[...])
        inp = jnp.maximum(x, 0.0).astype(jnp.bfloat16)
        pe = jnp.dot(inp, pee_ref[...], preferred_element_type=jnp.float32) \
            + b0e_ref[...]
        po = jnp.dot(inp, poe_ref[...], preferred_element_type=jnp.float32) \
            + b0o_ref[...]
        m = par_ref[rows, :]
        pre0[rows, :] = pe * m + po * (1.0 - m)
        return carry
    lax.fori_loop(0, _NCHUNK, p1, 0)
    pre0[pl.ds(_TPAD, _PPAD - _TPAD), :] = jnp.zeros((_PPAD - _TPAD, _H),
                                                     jnp.float32)

    citota = lax.broadcasted_iota(jnp.int32, (_CHUNK, _WIN), 1)
    for c in range(_NSCHUNK):
        w = wcol_ref[pl.ds(c * _CHUNK, _CHUNK), :]
        p = jnp.where(w == citota, 1.0, 0.0)
        win = pre0[pl.ds(_ACOL[c], _WIN), :]
        slots[pl.ds(c * _CHUNK, _CHUNK), :] = jnp.dot(
            p, win, preferred_element_type=jnp.float32)

    h0 = jnp.tanh(slots[pl.ds(0, 16), :])
    zeros16 = jnp.zeros((16, _H), jnp.float32)
    lenv = 512 - 28 * lax.broadcasted_iota(jnp.int32, (16, 1), 0)

    def p2(i, carry):
        h0c, h1c, acc = carry
        mo = modd_ref[...]
        me = mevn_ref[...]

        def odd_step(h0x, h1x, k):
            u = jnp.concatenate([h0x, h1x], axis=1).astype(jnp.bfloat16)
            g = jnp.dot(u, mo, preferred_element_type=jnp.float32)
            h1y = jnp.tanh(g[:, _H:] + b1odd_ref[...])
            s = pl.ds(pl.multiple_of(16 * k, 16), 16)
            h0y = jnp.tanh(g[:, :_H] + slots[s, :])
            return h0y, h1y

        def even_step(h0x, h1x, k):
            u = jnp.concatenate([h0x, h1x], axis=1).astype(jnp.bfloat16)
            g = jnp.dot(u, me, preferred_element_type=jnp.float32)
            h1y = jnp.tanh(g[:, _H:] + b1evn_ref[...])
            s = pl.ds(pl.multiple_of(16 * k, 16), 16)
            h0y = jnp.tanh(g[:, :_H] + slots[s, :])
            return h0y, h1y

        k0 = 8 * i
        h0x, h1x = h0c, h1c
        for d in range(0, 8, 2):
            h0x, h1x = odd_step(h0x, h1x, k0 + d + 1)
            h0x, h1x = even_step(h0x, h1x, k0 + d + 2)
            acc = jnp.where(lenv == (k0 + d + 2), h1x, acc)
        return (h0x, h1x, acc)

    _, _, acc = lax.fori_loop(0, _MAX_LEN // 8, p2, (h0, zeros16, zeros16))

    s = jnp.sum(acc * wo_ref[...], axis=1, keepdims=True) + bout_ref[...]
    out_ref[...] = 1.0 / (1.0 + jnp.exp(-s))


def _tc_call(wcol, emb_pad, dense_pad, par, WdT, WeT, blin, Pee, Poe, b0e, b0o,
             Modd, Mevn, b1odd, b1evn, wo, bout):
    return pl.pallas_call(
        _tc_body,
        out_shape=jax.ShapeDtypeStruct((16, 1), jnp.float32),
        in_specs=[pl.BlockSpec(memory_space=pltpu.VMEM)] * 17,
        out_specs=pl.BlockSpec(memory_space=pltpu.VMEM),
        scratch_shapes=[
            pltpu.VMEM((_PPAD, _H), jnp.float32),
            pltpu.VMEM((_NSLOT, _H), jnp.float32),
        ],
    )(wcol, emb_pad, dense_pad, par, WdT, WeT, blin, Pee, Poe, b0e, b0o,
      Modd, Mevn, b1odd, b1evn, wo, bout)


def kernel(dense_data, sparse_data, emb_tables, W_lin, b_lin, Wih_ee, Whh_ee,
           bih_ee, bhh_ee, Wih_oe, Whh_oe, bih_oe, bhh_oe, W_out, b_out):
    f32 = jnp.float32

    sp = jnp.pad(sparse_data.astype(jnp.int32), ((0, _TPAD - _TOTAL), (0, 0)))
    idx = sp.reshape(_NW, _PER_W, _NS).transpose(0, 2, 1).reshape(_NW * _NIDXW)

    dense_pad = jnp.pad(dense_data.astype(f32), ((0, _TPAD - _TOTAL), (0, 0)))

    emb_pad = _sc_gather(idx, emb_tables.astype(f32))

    WdT = W_lin[:, :_ND].T.astype(f32)
    WeT = W_lin[:, _ND:].T.astype(jnp.bfloat16)
    blin = b_lin[None, :].astype(f32)
    Pee = Wih_ee[0].T.astype(jnp.bfloat16)
    Poe = Wih_oe[0].T.astype(jnp.bfloat16)
    b0e = (bih_ee[0] + bhh_ee[0])[None, :].astype(f32)
    b0o = (bih_oe[0] + bhh_oe[0])[None, :].astype(f32)
    z = jnp.zeros((_H, _H), f32)
    Modd = jnp.concatenate([
        jnp.concatenate([Whh_oe[0].T, Wih_ee[1].T], axis=1),
        jnp.concatenate([z, Whh_ee[1].T], axis=1)], axis=0).astype(jnp.bfloat16)
    Mevn = jnp.concatenate([
        jnp.concatenate([Whh_ee[0].T, Wih_oe[1].T], axis=1),
        jnp.concatenate([z, Whh_oe[1].T], axis=1)], axis=0).astype(jnp.bfloat16)
    b1odd = (bih_ee[1] + bhh_ee[1])[None, :].astype(f32)
    b1evn = (bih_oe[1] + bhh_oe[1])[None, :].astype(f32)
    wo = W_out.astype(f32)
    bout = b_out[None, :].astype(f32)
    par = jnp.asarray(_PARITY)
    wcol = jnp.asarray(_WCOLS)

    out = _tc_call(wcol, emb_pad, dense_pad, par, WdT, WeT, blin, Pee, Poe,
                   b0e, b0o, Modd, Mevn, b1odd, b1evn, wo, bout)
    return out[:, 0]

# --- scband reference (transcript-rebuilt; emitter-appended) ---
"""Pipeline reference for scband-rnn-48558900248904 (READ-ONLY COPY).

The authoritative reference and input builder live on the scoring server;
editing this copy changes nothing except your own understanding.
"""

import jax, jax.numpy as jnp
import numpy as np

BATCH = 16
MAX_LEN = 512
LENGTHS = (512 - 28 * np.arange(BATCH)).astype(np.int64)  # descending lengths 512..92, presorted (unsorted_indices = identity)
BATCH_SIZES = np.array([(LENGTHS > t).sum() for t in range(MAX_LEN)], dtype=np.int64)
TOTAL = int(LENGTHS.sum())  # 4832
H = 256
L = 2
N_SPARSE = 4
VOCAB = 100000
EMB_DIM = 64
N_DENSE = 8
IN_SIZE = N_DENSE + N_SPARSE * EMB_DIM


def _forward(dense_data, sparse_data, emb_tables, W_lin, b_lin, Wih_ee, Whh_ee, bih_ee, bhh_ee, Wih_oe, Whh_oe, bih_oe, bhh_oe, W_out, b_out):
    t_max = len(BATCH_SIZES)
    cur = 0
    h = [jnp.zeros((int(BATCH_SIZES[0]), H), dtype=jnp.float32) for _ in range(L)]
    output = []
    for t in range(t_max):
        bs = int(BATCH_SIZES[t])
        for i in range(L):
            if i == 0:
                sp = sparse_data[cur:cur + bs]
                emb = jnp.concatenate([jnp.take(emb_tables[j], sp[:, j], axis=0) for j in range(N_SPARSE)], axis=-1)
                bd = dense_data[cur:cur + bs]
                inp = jnp.concatenate([bd, emb], axis=-1)
                inp = jax.nn.relu(inp @ W_lin.T + b_lin)
            else:
                inp = h[i - 1]
            if t % 2 == 0:
                Wih, Whh, bih, bhh = Wih_ee[i], Whh_ee[i], bih_ee[i], bhh_ee[i]
            else:
                Wih, Whh, bih, bhh = Wih_oe[i], Whh_oe[i], bih_oe[i], bhh_oe[i]
            h[i] = jnp.tanh(inp @ Wih.T + bih + h[i] @ Whh.T + bhh)
        if t < t_max - 1 and int(BATCH_SIZES[t]) > int(BATCH_SIZES[t + 1]):
            nb = int(BATCH_SIZES[t + 1])
            output.append(h[L - 1][nb:])
            h = [hh[:nb] for hh in h]
        cur += bs
    output.append(h[-1])
    out = jnp.concatenate(output[::-1], axis=0)
    pred = jax.nn.sigmoid(out @ W_out.T + b_out)[:, 0]
    # unsorted_indices is the identity permutation (inputs pre-sorted by length)
    return pred[jnp.arange(BATCH)]


def setup_inputs(seed: int = 0):
    key = jax.random.key(seed)
    ks = jax.random.split(key, 12)
    s = 0.05
    return {
        'dense_data': jax.random.normal(ks[0], (TOTAL, N_DENSE), dtype=jnp.float32),
        'sparse_data': jax.random.randint(ks[1], (TOTAL, N_SPARSE), 0, VOCAB),
        'emb_tables': jax.random.normal(ks[2], (N_SPARSE, VOCAB, EMB_DIM), dtype=jnp.float32) * s,
        'W_lin': jax.random.normal(ks[3], (H, IN_SIZE), dtype=jnp.float32) * s,
        'b_lin': jnp.zeros((H,), dtype=jnp.float32),
        'Wih_ee': jax.random.normal(ks[4], (L, H, H), dtype=jnp.float32) * s,
        'Whh_ee': jax.random.normal(ks[5], (L, H, H), dtype=jnp.float32) * s,
        'bih_ee': jnp.zeros((L, H), dtype=jnp.float32),
        'bhh_ee': jnp.zeros((L, H), dtype=jnp.float32),
        'Wih_oe': jax.random.normal(ks[6], (L, H, H), dtype=jnp.float32) * s,
        'Whh_oe': jax.random.normal(ks[7], (L, H, H), dtype=jnp.float32) * s,
        'bih_oe': jnp.zeros((L, H), dtype=jnp.float32),
        'bhh_oe': jnp.zeros((L, H), dtype=jnp.float32),
        'W_out': jax.random.normal(ks[8], (1, H), dtype=jnp.float32) * s,
        'b_out': jnp.zeros((1,), dtype=jnp.float32),
    }


def reference(dense_data, sparse_data, emb_tables, W_lin, b_lin, Wih_ee, Whh_ee, bih_ee, bhh_ee, Wih_oe, Whh_oe, bih_oe, bhh_oe, W_out, b_out):
    return _forward(dense_data, sparse_data, emb_tables, W_lin, b_lin, Wih_ee, Whh_ee, bih_ee, bhh_ee, Wih_oe, Whh_oe, bih_oe, bhh_oe, W_out, b_out)

if __name__ == "__main__":
    import jax
    _d = setup_inputs()
    print(jax.jit(kernel)(*tuple(_d.values())))

</pallas_src>

<mosaic_0001>
#map = affine_map<(d0, d1) -> (0)>
#map1 = affine_map<(d0, d1) -> (0, 0, 0)>
#map2 = affine_map<(d0, d1) -> (0, 0)>
module attributes {stable_mosaic.version = 14 : i64} {
  func.func @_sc_gather_kernel(%arg0: i32, %arg1: i32, %arg2: memref<19456xi32, #tpu.memory_space<hbm>>, %arg3: memref<4x100000x64xf32, #tpu.memory_space<hbm>>, %arg4: memref<4864x256xf32, #tpu.memory_space<hbm>>, %arg5: memref<608xi32, #tpu.memory_space<vmem>>, %arg6: memref<608x64xf32, #tpu.memory_space<vmem>>, %arg7: memref<!tpu.dma_semaphore, #tpu.memory_space<semaphore_mem>>) attributes {dimension_semantics = [#tpu.dimension_semantics<core_parallel>, #tpu.dimension_semantics<subcore_parallel>], iteration_bounds = array<i64: 2, 16>, scalar_prefetch = 0 : i64, scratch_operands = 3 : i64, tpu.core_type = #tpu.core_type<sc_vector_subcore>, window_params = [{transform_indices = #map}, {transform_indices = #map1}, {transform_indices = #map2}]} {
    %mul3A = arith.constant 2 : i32
    %mul3A_0 = arith.muli %arg1, %mul3A : i32
    %add3A = arith.addi %mul3A_0, %arg0 : i32
    %mul3A_1 = arith.constant 608 : i32
    %mul3A_2 = arith.muli %add3A, %mul3A_1 : i32
    "tpu.region"() ({
      %run_scoped3A = tpu.sem_alloc : memref<!tpu.dma_semaphore, #tpu.memory_space<semaphore_mem>>
      %dma_start3A_211 = tpu.memref_slice %arg2[%mul3A_2] : memref<19456xi32, #tpu.memory_space<hbm>> -> memref<608xi32, #tpu.memory_space<hbm>>
      %dma_start3A_212 = tpu.memref_slice %arg2[%mul3A_2] : memref<19456xi32, #tpu.memory_space<hbm>> -> memref<608xi32, #tpu.memory_space<hbm>>
      tpu.enqueue_dma source(%dma_start3A_212 : memref<608xi32, #tpu.memory_space<hbm>>) target(%arg5 : memref<608xi32, #tpu.memory_space<vmem>>) target_semaphore(%run_scoped3A : memref<!tpu.dma_semaphore, #tpu.memory_space<semaphore_mem>>)
      %dma_wait3A_213 = tpu.memref_slice %arg2[%mul3A_2] : memref<19456xi32, #tpu.memory_space<hbm>> -> memref<608xi32, #tpu.memory_space<hbm>>
      %dma_wait3A_214 = tpu.memref_slice %arg2[%mul3A_2] : memref<19456xi32, #tpu.memory_space<hbm>> -> memref<608xi32, #tpu.memory_space<hbm>>
      tpu.wait_dma2 semaphore(%run_scoped3A : memref<!tpu.dma_semaphore, #tpu.memory_space<semaphore_mem>>) src(%dma_wait3A_214 : memref<608xi32, #tpu.memory_space<hbm>>) dst(%arg5 : memref<608xi32, #tpu.memory_space<vmem>>)
      tpu.yield
    }) : () -> ()
    %dma_start3A = arith.constant 0 : i32
    %dma_start3A_3 = arith.constant 0 : i32
    %dma_start3A_4 = arith.constant 0 : i32
    %dma_start3A_5 = tpu.memref_slice %arg6[%dma_start3A_3, %dma_start3A_4] : memref<608x64xf32, #tpu.memory_space<vmem>> -> memref<96x64xf32, #tpu.memory_space<vmem>>
    %dma_start3A_6 = arith.constant 0 : i32
    %dma_start3A_7 = tpu.memref_slice %arg5[%dma_start3A_6] : memref<608xi32, #tpu.memory_space<vmem>> -> memref<96xi32, #tpu.memory_space<vmem>>
    %dma_start3A_8 = arith.constant 0 : i32
    %dma_start3A_9 = arith.constant 0 : i32
    %dma_start3A_10 = tpu.memref_slice %arg3[%dma_start3A, %dma_start3A_8, %dma_start3A_9] : memref<4x100000x64xf32, #tpu.memory_space<hbm>> -> memref<1x100000x64xf32, #tpu.memory_space<hbm>>
    %dma_start3A_11 = tpu.memref_squeeze %dma_start3A_10 : memref<1x100000x64xf32, #tpu.memory_space<hbm>> -> memref<100000x64xf32, #tpu.memory_space<hbm>>
    %dma_start3A_12 = arith.constant 0 : i32
    %dma_start3A_13 = arith.constant 0 : i32
    %dma_start3A_14 = tpu.memref_slice %dma_start3A_11[%dma_start3A_12, %dma_start3A_13] : memref<100000x64xf32, #tpu.memory_space<hbm>> -> memref<100000x64xf32, #tpu.memory_space<hbm>>
    tpu.enqueue_indirect_dma source(%dma_start3A_14 : memref<100000x64xf32, #tpu.memory_space<hbm>>) target(%dma_start3A_5 : memref<96x64xf32, #tpu.memory_space<vmem>>) offsets(%dma_start3A_7 : memref<96xi32, #tpu.memory_space<vmem>>) semaphore(%arg7 : memref<!tpu.dma_semaphore, #tpu.memory_space<semaphore_mem>>)
    %dma_start3A_15 = arith.constant 0 : i32
    %dma_start3A_16 = arith.constant 96 : i32
    %dma_start3A_17 = arith.constant 0 : i32
    %dma_start3A_18 = tpu.memref_slice %arg6[%dma_start3A_16, %dma_start3A_17] : memref<608x64xf32, #tpu.memory_space<vmem>> -> memref<56x64xf32, #tpu.memory_space<vmem>>
    %dma_start3A_19 = arith.constant 96 : i32
    %dma_start3A_20 = tpu.memref_slice %arg5[%dma_start3A_19] : memref<608xi32, #tpu.memory_space<vmem>> -> memref<56xi32, #tpu.memory_space<vmem>>
    %dma_start3A_21 = arith.constant 0 : i32
    %dma_start3A_22 = arith.constant 0 : i32
    %dma_start3A_23 = tpu.memref_slice %arg3[%dma_start3A_15, %dma_start3A_21, %dma_start3A_22] : memref<4x100000x64xf32, #tpu.memory_space<hbm>> -> memref<1x100000x64xf32, #tpu.memory_space<hbm>>
    %dma_start3A_24 = tpu.memref_squeeze %dma_start3A_23 : memref<1x100000x64xf32, #tpu.memory_space<hbm>> -> memref<100000x64xf32, #tpu.memory_space<hbm>>
    %dma_start3A_25 = arith.constant 0 : i32
    %dma_start3A_26 = arith.constant 0 : i32
    %dma_start3A_27 = tpu.memref_slice %dma_start3A_24[%dma_start3A_25, %dma_start3A_26] : memref<100000x64xf32, #tpu.memory_space<hbm>> -> memref<100000x64xf32, #tpu.memory_space<hbm>>
    tpu.enqueue_indirect_dma source(%dma_start3A_27 : memref<100000x64xf32, #tpu.memory_space<hbm>>) target(%dma_start3A_18 : memref<56x64xf32, #tpu.memory_space<vmem>>) offsets(%dma_start3A_20 : memref<56xi32, #tpu.memory_space<vmem>>) semaphore(%arg7 : memref<!tpu.dma_semaphore, #tpu.memory_space<semaphore_mem>>)
    %dma_start3A_28 = arith.constant 1 : i32
    %dma_start3A_29 = arith.constant 152 : i32
    %dma_start3A_30 = arith.constant 0 : i32
    %dma_start3A_31 = tpu.memref_slice %arg6[%dma_start3A_29, %dma_start3A_30] : memref<608x64xf32, #tpu.memory_space<vmem>> -> memref<96x64xf32, #tpu.memory_space<vmem>>
    %dma_start3A_32 = arith.constant 152 : i32
    %dma_start3A_33 = tpu.memref_slice %arg5[%dma_start3A_32] : memref<608xi32, #tpu.memory_space<vmem>> -> memref<96xi32, #tpu.memory_space<vmem>>
    %dma_start3A_34 = arith.constant 0 : i32
    %dma_start3A_35 = arith.constant 0 : i32
    %dma_start3A_36 = tpu.memref_slice %arg3[%dma_start3A_28, %dma_start3A_34, %dma_start3A_35] : memref<4x100000x64xf32, #tpu.memory_space<hbm>> -> memref<1x100000x64xf32, #tpu.memory_space<hbm>>
    %dma_start3A_37 = tpu.memref_squeeze %dma_start3A_36 : memref<1x100000x64xf32, #tpu.memory_space<hbm>> -> memref<100000x64xf32, #tpu.memory_space<hbm>>
    %dma_start3A_38 = arith.constant 0 : i32
    %dma_start3A_39 = arith.constant 0 : i32
    %dma_start3A_40 = tpu.memref_slice %dma_start3A_37[%dma_start3A_38, %dma_start3A_39] : memref<100000x64xf32, #tpu.memory_space<hbm>> -> memref<100000x64xf32, #tpu.memory_space<hbm>>
    tpu.enqueue_indirect_dma source(%dma_start3A_40 : memref<100000x64xf32, #tpu.memory_space<hbm>>) target(%dma_start3A_31 : memref<96x64xf32, #tpu.memory_space<vmem>>) offsets(%dma_start3A_33 : memref<96xi32, #tpu.memory_space<vmem>>) semaphore(%arg7 : memref<!tpu.dma_semaphore, #tpu.memory_space<semaphore_mem>>)
    %dma_start3A_41 = arith.constant 1 : i32
    %dma_start3A_42 = arith.constant 248 : i32
    %dma_start3A_43 = arith.constant 0 : i32
    %dma_start3A_44 = tpu.memref_slice %arg6[%dma_start3A_42, %dma_start3A_43] : memref<608x64xf32, #tpu.memory_space<vmem>> -> memref<56x64xf32, #tpu.memory_space<vmem>>
    %dma_start3A_45 = arith.constant 248 : i32
    %dma_start3A_46 = tpu.memref_slice %arg5[%dma_start3A_45] : memref<608xi32, #tpu.memory_space<vmem>> -> memref<56xi32, #tpu.memory_space<vmem>>
    %dma_start3A_47 = arith.constant 0 : i32
    %dma_start3A_48 = arith.constant 0 : i32
    %dma_start3A_49 = tpu.memref_slice %arg3[%dma_start3A_41, %dma_start3A_47, %dma_start3A_48] : memref<4x100000x64xf32, #tpu.memory_space<hbm>> -> memref<1x100000x64xf32, #tpu.memory_space<hbm>>
    %dma_start3A_50 = tpu.memref_squeeze %dma_start3A_49 : memref<1x100000x64xf32, #tpu.memory_space<hbm>> -> memref<100000x64xf32, #tpu.memory_space<hbm>>
    %dma_start3A_51 = arith.constant 0 : i32
    %dma_start3A_52 = arith.constant 0 : i32
    %dma_start3A_53 = tpu.memref_slice %dma_start3A_50[%dma_start3A_51, %dma_start3A_52] : memref<100000x64xf32, #tpu.memory_space<hbm>> -> memref<100000x64xf32, #tpu.memory_space<hbm>>
    tpu.enqueue_indirect_dma source(%dma_start3A_53 : memref<100000x64xf32, #tpu.memory_space<hbm>>) target(%dma_start3A_44 : memref<56x64xf32, #tpu.memory_space<vmem>>) offsets(%dma_start3A_46 : memref<56xi32, #tpu.memory_space<vmem>>) semaphore(%arg7 : memref<!tpu.dma_semaphore, #tpu.memory_space<semaphore_mem>>)
    %dma_start3A_54 = arith.constant 2 : i32
    %dma_start3A_55 = arith.constant 304 : i32
    %dma_start3A_56 = arith.constant 0 : i32
    %dma_start3A_57 = tpu.memref_slice %arg6[%dma_start3A_55, %dma_start3A_56] : memref<608x64xf32, #tpu.memory_space<vmem>> -> memref<96x64xf32, #tpu.memory_space<vmem>>
    %dma_start3A_58 = arith.constant 304 : i32
    %dma_start3A_59 = tpu.memref_slice %arg5[%dma_start3A_58] : memref<608xi32, #tpu.memory_space<vmem>> -> memref<96xi32, #tpu.memory_space<vmem>>
    %dma_start3A_60 = arith.constant 0 : i32
    %dma_start3A_61 = arith.constant 0 : i32
    %dma_start3A_62 = tpu.memref_slice %arg3[%dma_start3A_54, %dma_start3A_60, %dma_start3A_61] : memref<4x100000x64xf32, #tpu.memory_space<hbm>> -> memref<1x100000x64xf32, #tpu.memory_space<hbm>>
    %dma_start3A_63 = tpu.memref_squeeze %dma_start3A_62 : memref<1x100000x64xf32, #tpu.memory_space<hbm>> -> memref<100000x64xf32, #tpu.memory_space<hbm>>
    %dma_start3A_64 = arith.constant 0 : i32
    %dma_start3A_65 = arith.constant 0 : i32
    %dma_start3A_66 = tpu.memref_slice %dma_start3A_63[%dma_start3A_64, %dma_start3A_65] : memref<100000x64xf32, #tpu.memory_space<hbm>> -> memref<100000x64xf32, #tpu.memory_space<hbm>>
    tpu.enqueue_indirect_dma source(%dma_start3A_66 : memref<100000x64xf32, #tpu.memory_space<hbm>>) target(%dma_start3A_57 : memref<96x64xf32, #tpu.memory_space<vmem>>) offsets(%dma_start3A_59 : memref<96xi32, #tpu.memory_space<vmem>>) semaphore(%arg7 : memref<!tpu.dma_semaphore, #tpu.memory_space<semaphore_mem>>)
    %dma_start3A_67 = arith.constant 2 : i32
    %dma_start3A_68 = arith.constant 400 : i32
    %dma_start3A_69 = arith.constant 0 : i32
    %dma_start3A_70 = tpu.memref_slice %arg6[%dma_start3A_68, %dma_start3A_69] : memref<608x64xf32, #tpu.memory_space<vmem>> -> memref<56x64xf32, #tpu.memory_space<vmem>>
    %dma_start3A_71 = arith.constant 400 : i32
    %dma_start3A_72 = tpu.memref_slice %arg5[%dma_start3A_71] : memref<608xi32, #tpu.memory_space<vmem>> -> memref<56xi32, #tpu.memory_space<vmem>>
    %dma_start3A_73 = arith.constant 0 : i32
    %dma_start3A_74 = arith.constant 0 : i32
    %dma_start3A_75 = tpu.memref_slice %arg3[%dma_start3A_67, %dma_start3A_73, %dma_start3A_74] : memref<4x100000x64xf32, #tpu.memory_space<hbm>> -> memref<1x100000x64xf32, #tpu.memory_space<hbm>>
    %dma_start3A_76 = tpu.memref_squeeze %dma_start3A_75 : memref<1x100000x64xf32, #tpu.memory_space<hbm>> -> memref<100000x64xf32, #tpu.memory_space<hbm>>
    %dma_start3A_77 = arith.constant 0 : i32
    %dma_start3A_78 = arith.constant 0 : i32
    %dma_start3A_79 = tpu.memref_slice %dma_start3A_76[%dma_start3A_77, %dma_start3A_78] : memref<100000x64xf32, #tpu.memory_space<hbm>> -> memref<100000x64xf32, #tpu.memory_space<hbm>>
    tpu.enqueue_indirect_dma source(%dma_start3A_79 : memref<100000x64xf32, #tpu.memory_space<hbm>>) target(%dma_start3A_70 : memref<56x64xf32, #tpu.memory_space<vmem>>) offsets(%dma_start3A_72 : memref<56xi32, #tpu.memory_space<vmem>>) semaphore(%arg7 : memref<!tpu.dma_semaphore, #tpu.memory_space<semaphore_mem>>)
    %dma_start3A_80 = arith.constant 3 : i32
    %dma_start3A_81 = arith.constant 456 : i32
    %dma_start3A_82 = arith.constant 0 : i32
    %dma_start3A_83 = tpu.memref_slice %arg6[%dma_start3A_81, %dma_start3A_82] : memref<608x64xf32, #tpu.memory_space<vmem>> -> memref<96x64xf32, #tpu.memory_space<vmem>>
    %dma_start3A_84 = arith.constant 456 : i32
    %dma_start3A_85 = tpu.memref_slice %arg5[%dma_start3A_84] : memref<608xi32, #tpu.memory_space<vmem>> -> memref<96xi32, #tpu.memory_space<vmem>>
    %dma_start3A_86 = arith.constant 0 : i32
    %dma_start3A_87 = arith.constant 0 : i32
    %dma_start3A_88 = tpu.memref_slice %arg3[%dma_start3A_80, %dma_start3A_86, %dma_start3A_87] : memref<4x100000x64xf32, #tpu.memory_space<hbm>> -> memref<1x100000x64xf32, #tpu.memory_space<hbm>>
    %dma_start3A_89 = tpu.memref_squeeze %dma_start3A_88 : memref<1x100000x64xf32, #tpu.memory_space<hbm>> -> memref<100000x64xf32, #tpu.memory_space<hbm>>
    %dma_start3A_90 = arith.constant 0 : i32
    %dma_start3A_91 = arith.constant 0 : i32
    %dma_start3A_92 = tpu.memref_slice %dma_start3A_89[%dma_start3A_90, %dma_start3A_91] : memref<100000x64xf32, #tpu.memory_space<hbm>> -> memref<100000x64xf32, #tpu.memory_space<hbm>>
    tpu.enqueue_indirect_dma source(%dma_start3A_92 : memref<100000x64xf32, #tpu.memory_space<hbm>>) target(%dma_start3A_83 : memref<96x64xf32, #tpu.memory_space<vmem>>) offsets(%dma_start3A_85 : memref<96xi32, #tpu.memory_space<vmem>>) semaphore(%arg7 : memref<!tpu.dma_semaphore, #tpu.memory_space<semaphore_mem>>)
    %dma_start3A_93 = arith.constant 3 : i32
    %dma_start3A_94 = arith.constant 552 : i32
    %dma_start3A_95 = arith.constant 0 : i32
    %dma_start3A_96 = tpu.memref_slice %arg6[%dma_start3A_94, %dma_start3A_95] : memref<608x64xf32, #tpu.memory_space<vmem>> -> memref<56x64xf32, #tpu.memory_space<vmem>>
    %dma_start3A_97 = arith.constant 552 : i32
    %dma_start3A_98 = tpu.memref_slice %arg5[%dma_start3A_97] : memref<608xi32, #tpu.memory_space<vmem>> -> memref<56xi32, #tpu.memory_space<vmem>>
    %dma_start3A_99 = arith.constant 0 : i32
    %dma_start3A_100 = arith.constant 0 : i32
    %dma_start3A_101 = tpu.memref_slice %arg3[%dma_start3A_93, %dma_start3A_99, %dma_start3A_100] : memref<4x100000x64xf32, #tpu.memory_space<hbm>> -> memref<1x100000x64xf32, #tpu.memory_space<hbm>>
    %dma_start3A_102 = tpu.memref_squeeze %dma_start3A_101 : memref<1x100000x64xf32, #tpu.memory_space<hbm>> -> memref<100000x64xf32, #tpu.memory_space<hbm>>
    %dma_start3A_103 = arith.constant 0 : i32
    %dma_start3A_104 = arith.constant 0 : i32
    %dma_start3A_105 = tpu.memref_slice %dma_start3A_102[%dma_start3A_103, %dma_start3A_104] : memref<100000x64xf32, #tpu.memory_space<hbm>> -> memref<100000x64xf32, #tpu.memory_space<hbm>>
    tpu.enqueue_indirect_dma source(%dma_start3A_105 : memref<100000x64xf32, #tpu.memory_space<hbm>>) target(%dma_start3A_96 : memref<56x64xf32, #tpu.memory_space<vmem>>) offsets(%dma_start3A_98 : memref<56xi32, #tpu.memory_space<vmem>>) semaphore(%arg7 : memref<!tpu.dma_semaphore, #tpu.memory_space<semaphore_mem>>)
    %dma_wait3A = arith.constant 0 : i32
    %dma_wait3A_106 = arith.constant 0 : i32
    %dma_wait3A_107 = arith.constant 0 : i32
    %dma_wait3A_108 = tpu.memref_slice %arg6[%dma_wait3A_106, %dma_wait3A_107] : memref<608x64xf32, #tpu.memory_space<vmem>> -> memref<96x64xf32, #tpu.memory_space<vmem>>
    %dma_wait3A_109 = arith.constant 0 : i32
    %dma_wait3A_110 = tpu.memref_slice %arg5[%dma_wait3A_109] : memref<608xi32, #tpu.memory_space<vmem>> -> memref<96xi32, #tpu.memory_space<vmem>>
    %dma_wait3A_111 = arith.constant 0 : i32
    %dma_wait3A_112 = arith.constant 0 : i32
    %dma_wait3A_113 = tpu.memref_slice %arg3[%dma_wait3A, %dma_wait3A_111, %dma_wait3A_112] : memref<4x100000x64xf32, #tpu.memory_space<hbm>> -> memref<1x100000x64xf32, #tpu.memory_space<hbm>>
    %dma_wait3A_114 = tpu.memref_squeeze %dma_wait3A_113 : memref<1x100000x64xf32, #tpu.memory_space<hbm>> -> memref<100000x64xf32, #tpu.memory_space<hbm>>
    %dma_wait3A_115 = arith.constant 0 : i32
    %dma_wait3A_116 = arith.constant 0 : i32
    %dma_wait3A_117 = tpu.memref_slice %dma_wait3A_114[%dma_wait3A_115, %dma_wait3A_116] : memref<100000x64xf32, #tpu.memory_space<hbm>> -> memref<100000x64xf32, #tpu.memory_space<hbm>>
    tpu.wait_indirect_dma semaphore(%arg7 : memref<!tpu.dma_semaphore, #tpu.memory_space<semaphore_mem>>) src(%dma_wait3A_117 : memref<100000x64xf32, #tpu.memory_space<hbm>>) dst(%dma_wait3A_108 : memref<96x64xf32, #tpu.memory_space<vmem>>)
    %dma_wait3A_118 = arith.constant 0 : i32
    %dma_wait3A_119 = arith.constant 96 : i32
    %dma_wait3A_120 = arith.constant 0 : i32
    %dma_wait3A_121 = tpu.memref_slice %arg6[%dma_wait3A_119, %dma_wait3A_120] : memref<608x64xf32, #tpu.memory_space<vmem>> -> memref<56x64xf32, #tpu.memory_space<vmem>>
    %dma_wait3A_122 = arith.constant 96 : i32
    %dma_wait3A_123 = tpu.memref_slice %arg5[%dma_wait3A_122] : memref<608xi32, #tpu.memory_space<vmem>> -> memref<56xi32, #tpu.memory_space<vmem>>
    %dma_wait3A_124 = arith.constant 0 : i32
    %dma_wait3A_125 = arith.constant 0 : i32
    %dma_wait3A_126 = tpu.memref_slice %arg3[%dma_wait3A_118, %dma_wait3A_124, %dma_wait3A_125] : memref<4x100000x64xf32, #tpu.memory_space<hbm>> -> memref<1x100000x64xf32, #tpu.memory_space<hbm>>
    %dma_wait3A_127 = tpu.memref_squeeze %dma_wait3A_126 : memref<1x100000x64xf32, #tpu.memory_space<hbm>> -> memref<100000x64xf32, #tpu.memory_space<hbm>>
    %dma_wait3A_128 = arith.constant 0 : i32
    %dma_wait3A_129 = arith.constant 0 : i32
    %dma_wait3A_130 = tpu.memref_slice %dma_wait3A_127[%dma_wait3A_128, %dma_wait3A_129] : memref<100000x64xf32, #tpu.memory_space<hbm>> -> memref<100000x64xf32, #tpu.memory_space<hbm>>
    tpu.wait_indirect_dma semaphore(%arg7 : memref<!tpu.dma_semaphore, #tpu.memory_space<semaphore_mem>>) src(%dma_wait3A_130 : memref<100000x64xf32, #tpu.memory_space<hbm>>) dst(%dma_wait3A_121 : memref<56x64xf32, #tpu.memory_space<vmem>>)
    %dma_wait3A_131 = arith.constant 1 : i32
    %dma_wait3A_132 = arith.constant 152 : i32
    %dma_wait3A_133 = arith.constant 0 : i32
    %dma_wait3A_134 = tpu.memref_slice %arg6[%dma_wait3A_132, %dma_wait3A_133] : memref<608x64xf32, #tpu.memory_space<vmem>> -> memref<96x64xf32, #tpu.memory_space<vmem>>
    %dma_wait3A_135 = arith.constant 152 : i32
    %dma_wait3A_136 = tpu.memref_slice %arg5[%dma_wait3A_135] : memref<608xi32, #tpu.memory_space<vmem>> -> memref<96xi32, #tpu.memory_space<vmem>>
    %dma_wait3A_137 = arith.constant 0 : i32
    %dma_wait3A_138 = arith.constant 0 : i32
    %dma_wait3A_139 = tpu.memref_slice %arg3[%dma_wait3A_131, %dma_wait3A_137, %dma_wait3A_138] : memref<4x100000x64xf32, #tpu.memory_space<hbm>> -> memref<1x100000x64xf32, #tpu.memory_space<hbm>>
    %dma_wait3A_140 = tpu.memref_squeeze %dma_wait3A_139 : memref<1x100000x64xf32, #tpu.memory_space<hbm>> -> memref<100000x64xf32, #tpu.memory_space<hbm>>
    %dma_wait3A_141 = arith.constant 0 : i32
    %dma_wait3A_142 = arith.constant 0 : i32
    %dma_wait3A_143 = tpu.memref_slice %dma_wait3A_140[%dma_wait3A_141, %dma_wait3A_142] : memref<100000x64xf32, #tpu.memory_space<hbm>> -> memref<100000x64xf32, #tpu.memory_space<hbm>>
    tpu.wait_indirect_dma semaphore(%arg7 : memref<!tpu.dma_semaphore, #tpu.memory_space<semaphore_mem>>) src(%dma_wait3A_143 : memref<100000x64xf32, #tpu.memory_space<hbm>>) dst(%dma_wait3A_134 : memref<96x64xf32, #tpu.memory_space<vmem>>)
    %dma_wait3A_144 = arith.constant 1 : i32
    %dma_wait3A_145 = arith.constant 248 : i32
    %dma_wait3A_146 = arith.constant 0 : i32
    %dma_wait3A_147 = tpu.memref_slice %arg6[%dma_wait3A_145, %dma_wait3A_146] : memref<608x64xf32, #tpu.memory_space<vmem>> -> memref<56x64xf32, #tpu.memory_space<vmem>>
    %dma_wait3A_148 = arith.constant 248 : i32
    %dma_wait3A_149 = tpu.memref_slice %arg5[%dma_wait3A_148] : memref<608xi32, #tpu.memory_space<vmem>> -> memref<56xi32, #tpu.memory_space<vmem>>
    %dma_wait3A_150 = arith.constant 0 : i32
    %dma_wait3A_151 = arith.constant 0 : i32
    %dma_wait3A_152 = tpu.memref_slice %arg3[%dma_wait3A_144, %dma_wait3A_150, %dma_wait3A_151] : memref<4x100000x64xf32, #tpu.memory_space<hbm>> -> memref<1x100000x64xf32, #tpu.memory_space<hbm>>
    %dma_wait3A_153 = tpu.memref_squeeze %dma_wait3A_152 : memref<1x100000x64xf32, #tpu.memory_space<hbm>> -> memref<100000x64xf32, #tpu.memory_space<hbm>>
    %dma_wait3A_154 = arith.constant 0 : i32
    %dma_wait3A_155 = arith.constant 0 : i32
    %dma_wait3A_156 = tpu.memref_slice %dma_wait3A_153[%dma_wait3A_154, %dma_wait3A_155] : memref<100000x64xf32, #tpu.memory_space<hbm>> -> memref<100000x64xf32, #tpu.memory_space<hbm>>
    tpu.wait_indirect_dma semaphore(%arg7 : memref<!tpu.dma_semaphore, #tpu.memory_space<semaphore_mem>>) src(%dma_wait3A_156 : memref<100000x64xf32, #tpu.memory_space<hbm>>) dst(%dma_wait3A_147 : memref<56x64xf32, #tpu.memory_space<vmem>>)
    %dma_wait3A_157 = arith.constant 2 : i32
    %dma_wait3A_158 = arith.constant 304 : i32
    %dma_wait3A_159 = arith.constant 0 : i32
    %dma_wait3A_160 = tpu.memref_slice %arg6[%dma_wait3A_158, %dma_wait3A_159] : memref<608x64xf32, #tpu.memory_space<vmem>> -> memref<96x64xf32, #tpu.memory_space<vmem>>
    %dma_wait3A_161 = arith.constant 304 : i32
    %dma_wait3A_162 = tpu.memref_slice %arg5[%dma_wait3A_161] : memref<608xi32, #tpu.memory_space<vmem>> -> memref<96xi32, #tpu.memory_space<vmem>>
    %dma_wait3A_163 = arith.constant 0 : i32
    %dma_wait3A_164 = arith.constant 0 : i32
    %dma_wait3A_165 = tpu.memref_slice %arg3[%dma_wait3A_157, %dma_wait3A_163, %dma_wait3A_164] : memref<4x100000x64xf32, #tpu.memory_space<hbm>> -> memref<1x100000x64xf32, #tpu.memory_space<hbm>>
    %dma_wait3A_166 = tpu.memref_squeeze %dma_wait3A_165 : memref<1x100000x64xf32, #tpu.memory_space<hbm>> -> memref<100000x64xf32, #tpu.memory_space<hbm>>
    %dma_wait3A_167 = arith.constant 0 : i32
    %dma_wait3A_168 = arith.constant 0 : i32
    %dma_wait3A_169 = tpu.memref_slice %dma_wait3A_166[%dma_wait3A_167, %dma_wait3A_168] : memref<100000x64xf32, #tpu.memory_space<hbm>> -> memref<100000x64xf32, #tpu.memory_space<hbm>>
    tpu.wait_indirect_dma semaphore(%arg7 : memref<!tpu.dma_semaphore, #tpu.memory_space<semaphore_mem>>) src(%dma_wait3A_169 : memref<100000x64xf32, #tpu.memory_space<hbm>>) dst(%dma_wait3A_160 : memref<96x64xf32, #tpu.memory_space<vmem>>)
    %dma_wait3A_170 = arith.constant 2 : i32
    %dma_wait3A_171 = arith.constant 400 : i32
    %dma_wait3A_172 = arith.constant 0 : i32
    %dma_wait3A_173 = tpu.memref_slice %arg6[%dma_wait3A_171, %dma_wait3A_172] : memref<608x64xf32, #tpu.memory_space<vmem>> -> memref<56x64xf32, #tpu.memory_space<vmem>>
    %dma_wait3A_174 = arith.constant 400 : i32
    %dma_wait3A_175 = tpu.memref_slice %arg5[%dma_wait3A_174] : memref<608xi32, #tpu.memory_space<vmem>> -> memref<56xi32, #tpu.memory_space<vmem>>
    %dma_wait3A_176 = arith.constant 0 : i32
    %dma_wait3A_177 = arith.constant 0 : i32
    %dma_wait3A_178 = tpu.memref_slice %arg3[%dma_wait3A_170, %dma_wait3A_176, %dma_wait3A_177] : memref<4x100000x64xf32, #tpu.memory_space<hbm>> -> memref<1x100000x64xf32, #tpu.memory_space<hbm>>
    %dma_wait3A_179 = tpu.memref_squeeze %dma_wait3A_178 : memref<1x100000x64xf32, #tpu.memory_space<hbm>> -> memref<100000x64xf32, #tpu.memory_space<hbm>>
    %dma_wait3A_180 = arith.constant 0 : i32
    %dma_wait3A_181 = arith.constant 0 : i32
    %dma_wait3A_182 = tpu.memref_slice %dma_wait3A_179[%dma_wait3A_180, %dma_wait3A_181] : memref<100000x64xf32, #tpu.memory_space<hbm>> -> memref<100000x64xf32, #tpu.memory_space<hbm>>
    tpu.wait_indirect_dma semaphore(%arg7 : memref<!tpu.dma_semaphore, #tpu.memory_space<semaphore_mem>>) src(%dma_wait3A_182 : memref<100000x64xf32, #tpu.memory_space<hbm>>) dst(%dma_wait3A_173 : memref<56x64xf32, #tpu.memory_space<vmem>>)
    %dma_wait3A_183 = arith.constant 3 : i32
    %dma_wait3A_184 = arith.constant 456 : i32
    %dma_wait3A_185 = arith.constant 0 : i32
    %dma_wait3A_186 = tpu.memref_slice %arg6[%dma_wait3A_184, %dma_wait3A_185] : memref<608x64xf32, #tpu.memory_space<vmem>> -> memref<96x64xf32, #tpu.memory_space<vmem>>
    %dma_wait3A_187 = arith.constant 456 : i32
    %dma_wait3A_188 = tpu.memref_slice %arg5[%dma_wait3A_187] : memref<608xi32, #tpu.memory_space<vmem>> -> memref<96xi32, #tpu.memory_space<vmem>>
    %dma_wait3A_189 = arith.constant 0 : i32
    %dma_wait3A_190 = arith.constant 0 : i32
    %dma_wait3A_191 = tpu.memref_slice %arg3[%dma_wait3A_183, %dma_wait3A_189, %dma_wait3A_190] : memref<4x100000x64xf32, #tpu.memory_space<hbm>> -> memref<1x100000x64xf32, #tpu.memory_space<hbm>>
    %dma_wait3A_192 = tpu.memref_squeeze %dma_wait3A_191 : memref<1x100000x64xf32, #tpu.memory_space<hbm>> -> memref<100000x64xf32, #tpu.memory_space<hbm>>
    %dma_wait3A_193 = arith.constant 0 : i32
    %dma_wait3A_194 = arith.constant 0 : i32
    %dma_wait3A_195 = tpu.memref_slice %dma_wait3A_192[%dma_wait3A_193, %dma_wait3A_194] : memref<100000x64xf32, #tpu.memory_space<hbm>> -> memref<100000x64xf32, #tpu.memory_space<hbm>>
    tpu.wait_indirect_dma semaphore(%arg7 : memref<!tpu.dma_semaphore, #tpu.memory_space<semaphore_mem>>) src(%dma_wait3A_195 : memref<100000x64xf32, #tpu.memory_space<hbm>>) dst(%dma_wait3A_186 : memref<96x64xf32, #tpu.memory_space<vmem>>)
    %dma_wait3A_196 = arith.constant 3 : i32
    %dma_wait3A_197 = arith.constant 552 : i32
    %dma_wait3A_198 = arith.constant 0 : i32
    %dma_wait3A_199 = tpu.memref_slice %arg6[%dma_wait3A_197, %dma_wait3A_198] : memref<608x64xf32, #tpu.memory_space<vmem>> -> memref<56x64xf32, #tpu.memory_space<vmem>>
    %dma_wait3A_200 = arith.constant 552 : i32
    %dma_wait3A_201 = tpu.memref_slice %arg5[%dma_wait3A_200] : memref<608xi32, #tpu.memory_space<vmem>> -> memref<56xi32, #tpu.memory_space<vmem>>
    %dma_wait3A_202 = arith.constant 0 : i32
    %dma_wait3A_203 = arith.constant 0 : i32
    %dma_wait3A_204 = tpu.memref_slice %arg3[%dma_wait3A_196, %dma_wait3A_202, %dma_wait3A_203] : memref<4x100000x64xf32, #tpu.memory_space<hbm>> -> memref<1x100000x64xf32, #tpu.memory_space<hbm>>
    %dma_wait3A_205 = tpu.memref_squeeze %dma_wait3A_204 : memref<1x100000x64xf32, #tpu.memory_space<hbm>> -> memref<100000x64xf32, #tpu.memory_space<hbm>>
    %dma_wait3A_206 = arith.constant 0 : i32
    %dma_wait3A_207 = arith.constant 0 : i32
    %dma_wait3A_208 = tpu.memref_slice %dma_wait3A_205[%dma_wait3A_206, %dma_wait3A_207] : memref<100000x64xf32, #tpu.memory_space<hbm>> -> memref<100000x64xf32, #tpu.memory_space<hbm>>
    tpu.wait_indirect_dma semaphore(%arg7 : memref<!tpu.dma_semaphore, #tpu.memory_space<semaphore_mem>>) src(%dma_wait3A_208 : memref<100000x64xf32, #tpu.memory_space<hbm>>) dst(%dma_wait3A_199 : memref<56x64xf32, #tpu.memory_space<vmem>>)
    %mul3A_209 = arith.constant 152 : i32
    %mul3A_210 = arith.muli %add3A, %mul3A_209 : i32
    "tpu.region"() ({
      %run_scoped3A = tpu.sem_alloc : memref<!tpu.dma_semaphore, #tpu.memory_space<semaphore_mem>>
      %dma_start3A_211 = arith.constant 0 : i32
      %dma_start3A_212 = arith.constant 0 : i32
      %dma_start3A_213 = tpu.memref_slice %arg6[%dma_start3A_211, %dma_start3A_212] : memref<608x64xf32, #tpu.memory_space<vmem>> -> memref<152x64xf32, #tpu.memory_space<vmem>>
      %dma_start3A_214 = arith.constant 0 : i32
      %dma_start3A_215 = tpu.memref_slice %arg4[%mul3A_210, %dma_start3A_214] : memref<4864x256xf32, #tpu.memory_space<hbm>> -> memref<152x64xf32, #tpu.memory_space<hbm>>
      %dma_start3A_216 = arith.constant 0 : i32
      %dma_start3A_217 = tpu.memref_slice %arg4[%mul3A_210, %dma_start3A_216] : memref<4864x256xf32, #tpu.memory_space<hbm>> -> memref<152x64xf32, #tpu.memory_space<hbm>>
      %dma_start3A_218 = arith.constant 0 : i32
      %dma_start3A_219 = arith.constant 0 : i32
      %dma_start3A_220 = tpu.memref_slice %arg6[%dma_start3A_218, %dma_start3A_219] : memref<608x64xf32, #tpu.memory_space<vmem>> -> memref<152x64xf32, #tpu.memory_space<vmem>>
      tpu.enqueue_dma source(%dma_start3A_220 : memref<152x64xf32, #tpu.memory_space<vmem>>) target(%dma_start3A_217 : memref<152x64xf32, #tpu.memory_space<hbm>>) target_semaphore(%run_scoped3A : memref<!tpu.dma_semaphore, #tpu.memory_space<semaphore_mem>>)
      %dma_wait3A_221 = arith.constant 0 : i32
      %dma_wait3A_222 = arith.constant 0 : i32
      %dma_wait3A_223 = tpu.memref_slice %arg6[%dma_wait3A_221, %dma_wait3A_222] : memref<608x64xf32, #tpu.memory_space<vmem>> -> memref<152x64xf32, #tpu.memory_space<vmem>>
      %dma_wait3A_224 = arith.constant 0 : i32
      %dma_wait3A_225 = tpu.memref_slice %arg4[%mul3A_210, %dma_wait3A_224] : memref<4864x256xf32, #tpu.memory_space<hbm>> -> memref<152x64xf32, #tpu.memory_space<hbm>>
      %dma_wait3A_226 = arith.constant 0 : i32
      %dma_wait3A_227 = tpu.memref_slice %arg4[%mul3A_210, %dma_wait3A_226] : memref<4864x256xf32, #tpu.memory_space<hbm>> -> memref<152x64xf32, #tpu.memory_space<hbm>>
      %dma_wait3A_228 = arith.constant 0 : i32
      %dma_wait3A_229 = arith.constant 0 : i32
      %dma_wait3A_230 = tpu.memref_slice %arg6[%dma_wait3A_228, %dma_wait3A_229] : memref<608x64xf32, #tpu.memory_space<vmem>> -> memref<152x64xf32, #tpu.memory_space<vmem>>
      tpu.wait_dma2 semaphore(%run_scoped3A : memref<!tpu.dma_semaphore, #tpu.memory_space<semaphore_mem>>) src(%dma_wait3A_230 : memref<152x64xf32, #tpu.memory_space<vmem>>) dst(%dma_wait3A_227 : memref<152x64xf32, #tpu.memory_space<hbm>>)
      tpu.yield
    }) : () -> ()
    "tpu.region"() ({
      %run_scoped3A = tpu.sem_alloc : memref<!tpu.dma_semaphore, #tpu.memory_space<semaphore_mem>>
      %dma_start3A_211 = arith.constant 152 : i32
      %dma_start3A_212 = arith.constant 0 : i32
      %dma_start3A_213 = tpu.memref_slice %arg6[%dma_start3A_211, %dma_start3A_212] : memref<608x64xf32, #tpu.memory_space<vmem>> -> memref<152x64xf32, #tpu.memory_space<vmem>>
      %dma_start3A_214 = arith.constant 64 : i32
      %dma_start3A_215 = tpu.memref_slice %arg4[%mul3A_210, %dma_start3A_214] : memref<4864x256xf32, #tpu.memory_space<hbm>> -> memref<152x64xf32, #tpu.memory_space<hbm>>
      %dma_start3A_216 = arith.constant 64 : i32
      %dma_start3A_217 = tpu.memref_slice %arg4[%mul3A_210, %dma_start3A_216] : memref<4864x256xf32, #tpu.memory_space<hbm>> -> memref<152x64xf32, #tpu.memory_space<hbm>>
      %dma_start3A_218 = arith.constant 152 : i32
      %dma_start3A_219 = arith.constant 0 : i32
      %dma_start3A_220 = tpu.memref_slice %arg6[%dma_start3A_218, %dma_start3A_219] : memref<608x64xf32, #tpu.memory_space<vmem>> -> memref<152x64xf32, #tpu.memory_space<vmem>>
      tpu.enqueue_dma source(%dma_start3A_220 : memref<152x64xf32, #tpu.memory_space<vmem>>) target(%dma_start3A_217 : memref<152x64xf32, #tpu.memory_space<hbm>>) target_semaphore(%run_scoped3A : memref<!tpu.dma_semaphore, #tpu.memory_space<semaphore_mem>>)
      %dma_wait3A_221 = arith.constant 152 : i32
      %dma_wait3A_222 = arith.constant 0 : i32
      %dma_wait3A_223 = tpu.memref_slice %arg6[%dma_wait3A_221, %dma_wait3A_222] : memref<608x64xf32, #tpu.memory_space<vmem>> -> memref<152x64xf32, #tpu.memory_space<vmem>>
      %dma_wait3A_224 = arith.constant 64 : i32
      %dma_wait3A_225 = tpu.memref_slice %arg4[%mul3A_210, %dma_wait3A_224] : memref<4864x256xf32, #tpu.memory_space<hbm>> -> memref<152x64xf32, #tpu.memory_space<hbm>>
      %dma_wait3A_226 = arith.constant 64 : i32
      %dma_wait3A_227 = tpu.memref_slice %arg4[%mul3A_210, %dma_wait3A_226] : memref<4864x256xf32, #tpu.memory_space<hbm>> -> memref<152x64xf32, #tpu.memory_space<hbm>>
      %dma_wait3A_228 = arith.constant 152 : i32
      %dma_wait3A_229 = arith.constant 0 : i32
      %dma_wait3A_230 = tpu.memref_slice %arg6[%dma_wait3A_228, %dma_wait3A_229] : memref<608x64xf32, #tpu.memory_space<vmem>> -> memref<152x64xf32, #tpu.memory_space<vmem>>
      tpu.wait_dma2 semaphore(%run_scoped3A : memref<!tpu.dma_semaphore, #tpu.memory_space<semaphore_mem>>) src(%dma_wait3A_230 : memref<152x64xf32, #tpu.memory_space<vmem>>) dst(%dma_wait3A_227 : memref<152x64xf32, #tpu.memory_space<hbm>>)
      tpu.yield
    }) : () -> ()
    "tpu.region"() ({
      %run_scoped3A = tpu.sem_alloc : memref<!tpu.dma_semaphore, #tpu.memory_space<semaphore_mem>>
      %dma_start3A_211 = arith.constant 304 : i32
      %dma_start3A_212 = arith.constant 0 : i32
      %dma_start3A_213 = tpu.memref_slice %arg6[%dma_start3A_211, %dma_start3A_212] : memref<608x64xf32, #tpu.memory_space<vmem>> -> memref<152x64xf32, #tpu.memory_space<vmem>>
      %dma_start3A_214 = arith.constant 128 : i32
      %dma_start3A_215 = tpu.memref_slice %arg4[%mul3A_210, %dma_start3A_214] : memref<4864x256xf32, #tpu.memory_space<hbm>> -> memref<152x64xf32, #tpu.memory_space<hbm>>
      %dma_start3A_216 = arith.constant 128 : i32
      %dma_start3A_217 = tpu.memref_slice %arg4[%mul3A_210, %dma_start3A_216] : memref<4864x256xf32, #tpu.memory_space<hbm>> -> memref<152x64xf32, #tpu.memory_space<hbm>>
      %dma_start3A_218 = arith.constant 304 : i32
      %dma_start3A_219 = arith.constant 0 : i32
      %dma_start3A_220 = tpu.memref_slice %arg6[%dma_start3A_218, %dma_start3A_219] : memref<608x64xf32, #tpu.memory_space<vmem>> -> memref<152x64xf32, #tpu.memory_space<vmem>>
      tpu.enqueue_dma source(%dma_start3A_220 : memref<152x64xf32, #tpu.memory_space<vmem>>) target(%dma_start3A_217 : memref<152x64xf32, #tpu.memory_space<hbm>>) target_semaphore(%run_scoped3A : memref<!tpu.dma_semaphore, #tpu.memory_space<semaphore_mem>>)
      %dma_wait3A_221 = arith.constant 304 : i32
      %dma_wait3A_222 = arith.constant 0 : i32
      %dma_wait3A_223 = tpu.memref_slice %arg6[%dma_wait3A_221, %dma_wait3A_222] : memref<608x64xf32, #tpu.memory_space<vmem>> -> memref<152x64xf32, #tpu.memory_space<vmem>>
      %dma_wait3A_224 = arith.constant 128 : i32
      %dma_wait3A_225 = tpu.memref_slice %arg4[%mul3A_210, %dma_wait3A_224] : memref<4864x256xf32, #tpu.memory_space<hbm>> -> memref<152x64xf32, #tpu.memory_space<hbm>>
      %dma_wait3A_226 = arith.constant 128 : i32
      %dma_wait3A_227 = tpu.memref_slice %arg4[%mul3A_210, %dma_wait3A_226] : memref<4864x256xf32, #tpu.memory_space<hbm>> -> memref<152x64xf32, #tpu.memory_space<hbm>>
      %dma_wait3A_228 = arith.constant 304 : i32
      %dma_wait3A_229 = arith.constant 0 : i32
      %dma_wait3A_230 = tpu.memref_slice %arg6[%dma_wait3A_228, %dma_wait3A_229] : memref<608x64xf32, #tpu.memory_space<vmem>> -> memref<152x64xf32, #tpu.memory_space<vmem>>
      tpu.wait_dma2 semaphore(%run_scoped3A : memref<!tpu.dma_semaphore, #tpu.memory_space<semaphore_mem>>) src(%dma_wait3A_230 : memref<152x64xf32, #tpu.memory_space<vmem>>) dst(%dma_wait3A_227 : memref<152x64xf32, #tpu.memory_space<hbm>>)
      tpu.yield
    }) : () -> ()
    "tpu.region"() ({
      %run_scoped3A = tpu.sem_alloc : memref<!tpu.dma_semaphore, #tpu.memory_space<semaphore_mem>>
      %dma_start3A_211 = arith.constant 456 : i32
      %dma_start3A_212 = arith.constant 0 : i32
      %dma_start3A_213 = tpu.memref_slice %arg6[%dma_start3A_211, %dma_start3A_212] : memref<608x64xf32, #tpu.memory_space<vmem>> -> memref<152x64xf32, #tpu.memory_space<vmem>>
      %dma_start3A_214 = arith.constant 192 : i32
      %dma_start3A_215 = tpu.memref_slice %arg4[%mul3A_210, %dma_start3A_214] : memref<4864x256xf32, #tpu.memory_space<hbm>> -> memref<152x64xf32, #tpu.memory_space<hbm>>
      %dma_start3A_216 = arith.constant 192 : i32
      %dma_start3A_217 = tpu.memref_slice %arg4[%mul3A_210, %dma_start3A_216] : memref<4864x256xf32, #tpu.memory_space<hbm>> -> memref<152x64xf32, #tpu.memory_space<hbm>>
      %dma_start3A_218 = arith.constant 456 : i32
      %dma_start3A_219 = arith.constant 0 : i32
      %dma_start3A_220 = tpu.memref_slice %arg6[%dma_start3A_218, %dma_start3A_219] : memref<608x64xf32, #tpu.memory_space<vmem>> -> memref<152x64xf32, #tpu.memory_space<vmem>>
      tpu.enqueue_dma source(%dma_start3A_220 : memref<152x64xf32, #tpu.memory_space<vmem>>) target(%dma_start3A_217 : memref<152x64xf32, #tpu.memory_space<hbm>>) target_semaphore(%run_scoped3A : memref<!tpu.dma_semaphore, #tpu.memory_space<semaphore_mem>>)
      %dma_wait3A_221 = arith.constant 456 : i32
      %dma_wait3A_222 = arith.constant 0 : i32
      %dma_wait3A_223 = tpu.memref_slice %arg6[%dma_wait3A_221, %dma_wait3A_222] : memref<608x64xf32, #tpu.memory_space<vmem>> -> memref<152x64xf32, #tpu.memory_space<vmem>>
      %dma_wait3A_224 = arith.constant 192 : i32
      %dma_wait3A_225 = tpu.memref_slice %arg4[%mul3A_210, %dma_wait3A_224] : memref<4864x256xf32, #tpu.memory_space<hbm>> -> memref<152x64xf32, #tpu.memory_space<hbm>>
      %dma_wait3A_226 = arith.constant 192 : i32
      %dma_wait3A_227 = tpu.memref_slice %arg4[%mul3A_210, %dma_wait3A_226] : memref<4864x256xf32, #tpu.memory_space<hbm>> -> memref<152x64xf32, #tpu.memory_space<hbm>>
      %dma_wait3A_228 = arith.constant 456 : i32
      %dma_wait3A_229 = arith.constant 0 : i32
      %dma_wait3A_230 = tpu.memref_slice %arg6[%dma_wait3A_228, %dma_wait3A_229] : memref<608x64xf32, #tpu.memory_space<vmem>> -> memref<152x64xf32, #tpu.memory_space<vmem>>
      tpu.wait_dma2 semaphore(%run_scoped3A : memref<!tpu.dma_semaphore, #tpu.memory_space<semaphore_mem>>) src(%dma_wait3A_230 : memref<152x64xf32, #tpu.memory_space<vmem>>) dst(%dma_wait3A_227 : memref<152x64xf32, #tpu.memory_space<hbm>>)
      tpu.yield
    }) : () -> ()
    return
  }
}

module attributes {stable_mosaic.version = 14 : i64} {
  func.func @_tc_body(%arg0: memref<8448x1xi32, #tpu.memory_space<vmem>>, %arg1: memref<4864x256xf32, #tpu.memory_space<vmem>>, %arg2: memref<4864x8xf32, #tpu.memory_space<vmem>>, %arg3: memref<4864x1xf32, #tpu.memory_space<vmem>>, %arg4: memref<8x256xf32, #tpu.memory_space<vmem>>, %arg5: memref<256x256xbf16, #tpu.memory_space<vmem>>, %arg6: memref<1x256xf32, #tpu.memory_space<vmem>>, %arg7: memref<256x256xbf16, #tpu.memory_space<vmem>>, %arg8: memref<256x256xbf16, #tpu.memory_space<vmem>>, %arg9: memref<1x256xf32, #tpu.memory_space<vmem>>, %arg10: memref<1x256xf32, #tpu.memory_space<vmem>>, %arg11: memref<512x512xbf16, #tpu.memory_space<vmem>>, %arg12: memref<512x512xbf16, #tpu.memory_space<vmem>>, %arg13: memref<1x256xf32, #tpu.memory_space<vmem>>, %arg14: memref<1x256xf32, #tpu.memory_space<vmem>>, %arg15: memref<1x256xf32, #tpu.memory_space<vmem>>, %arg16: memref<1x1xf32, #tpu.memory_space<vmem>>, %arg17: memref<16x1xf32, #tpu.memory_space<vmem>>, %arg18: memref<5120x256xf32, #tpu.memory_space<vmem>>, %arg19: memref<8448x256xf32, #tpu.memory_space<vmem>>) attributes {dimension_semantics = [], scalar_prefetch = 0 : i64, scratch_operands = 2 : i64, tpu.core_type = #tpu.core_type<tc>} {
    %scan3A = arith.constant 0 : i32
    %scan3A_0 = arith.constant 19 : i32
    %scan3A_1 = arith.addi %scan3A, %scan3A_0 : i32
    %scan3A_2 = arith.constant 1 : i32
    scf.for %scan3A_633 = %scan3A to %scan3A_1 step %scan3A_2  : i32 {
      %mul3A_634 = arith.constant 256 : i32
      %mul3A_635 = arith.muli %scan3A_633, %mul3A_634 : i32
      %multiple_of3A = tpu.assume_multiple %mul3A_635, 256 : i32
      %get3A_636 = arith.index_cast %multiple_of3A : i32 to index
      %get3A_637 = arith.constant 0 : index
      %get3A_638 = vector.load %arg2[%get3A_636, %get3A_637] : memref<4864x8xf32, #tpu.memory_space<vmem>>, vector<256x8xf32>
      %get3A_639 = arith.constant 0 : index
      %get3A_640 = arith.constant 0 : index
      %get3A_641 = vector.load %arg4[%get3A_639, %get3A_640] : memref<8x256xf32, #tpu.memory_space<vmem>>, vector<8x256xf32>
      %dot_general3A_642 = arith.constant dense<0.000000e+00> : vector<256x256xf32>
      %dot_general3A_643 = tpu.matmul %get3A_638, %get3A_641, %dot_general3A_642 {dimension_numbers = #tpu.dot_dimension_numbers<[1], [0], [0], [1], [0, 0, 1, 1], [], []>, transpose_lhs_hint = false} : vector<256x8xf32>, vector<8x256xf32>, vector<256x256xf32> -> vector<256x256xf32>
      %get3A_644 = arith.index_cast %multiple_of3A : i32 to index
      %get3A_645 = arith.constant 0 : index
      %get3A_646 = vector.load %arg1[%get3A_644, %get3A_645] : memref<4864x256xf32, #tpu.memory_space<vmem>>, vector<256x256xf32>
      %convert_element_type3A = arith.truncf %get3A_646 : vector<256x256xf32> to vector<256x256xbf16>
      %get3A_647 = arith.constant 0 : index
      %get3A_648 = arith.constant 0 : index
      %get3A_649 = vector.load %arg5[%get3A_647, %get3A_648] : memref<256x256xbf16, #tpu.memory_space<vmem>>, vector<256x256xbf16>
      %dot_general3A_650 = arith.constant dense<0.000000e+00> : vector<256x256xf32>
      %dot_general3A_651 = tpu.matmul %convert_element_type3A, %get3A_649, %dot_general3A_650 {dimension_numbers = #tpu.dot_dimension_numbers<[1], [0], [0], [1], [0, 0, 1, 1], [], []>, transpose_lhs_hint = false} : vector<256x256xbf16>, vector<256x256xbf16>, vector<256x256xf32> -> vector<256x256xf32>
      %add3A_652 = arith.addf %dot_general3A_643, %dot_general3A_651 : vector<256x256xf32>
      %get3A_653 = arith.constant 0 : index
      %get3A_654 = arith.constant 0 : index
      %get3A_655 = vector.load %arg6[%get3A_653, %get3A_654] : memref<1x256xf32, #tpu.memory_space<vmem>>, vector<1x256xf32>
      %add3A_656 = vector.broadcast %get3A_655 : vector<1x256xf32> to vector<256x256xf32>
      %add3A_657 = arith.addf %add3A_652, %add3A_656 : vector<256x256xf32>
      %max3A = arith.constant 0.000000e+00 : f32
      %max3A_658 = vector.broadcast %max3A : f32 to vector<256x256xf32>
      %max3A_659 = arith.maximumf %add3A_657, %max3A_658 : vector<256x256xf32>
      %convert_element_type3A_660 = arith.truncf %max3A_659 : vector<256x256xf32> to vector<256x256xbf16>
      %get3A_661 = arith.constant 0 : index
      %get3A_662 = arith.constant 0 : index
      %get3A_663 = vector.load %arg7[%get3A_661, %get3A_662] : memref<256x256xbf16, #tpu.memory_space<vmem>>, vector<256x256xbf16>
      %dot_general3A_664 = arith.constant dense<0.000000e+00> : vector<256x256xf32>
      %dot_general3A_665 = tpu.matmul %convert_element_type3A_660, %get3A_663, %dot_general3A_664 {dimension_numbers = #tpu.dot_dimension_numbers<[1], [0], [0], [1], [0, 0, 1, 1], [], []>, transpose_lhs_hint = false} : vector<256x256xbf16>, vector<256x256xbf16>, vector<256x256xf32> -> vector<256x256xf32>
      %get3A_666 = arith.constant 0 : index
      %get3A_667 = arith.constant 0 : index
      %get3A_668 = vector.load %arg9[%get3A_666, %get3A_667] : memref<1x256xf32, #tpu.memory_space<vmem>>, vector<1x256xf32>
      %add3A_669 = vector.broadcast %get3A_668 : vector<1x256xf32> to vector<256x256xf32>
      %add3A_670 = arith.addf %dot_general3A_665, %add3A_669 : vector<256x256xf32>
      %get3A_671 = arith.constant 0 : index
      %get3A_672 = arith.constant 0 : index
      %get3A_673 = vector.load %arg8[%get3A_671, %get3A_672] : memref<256x256xbf16, #tpu.memory_space<vmem>>, vector<256x256xbf16>
      %dot_general3A_674 = arith.constant dense<0.000000e+00> : vector<256x256xf32>
      %dot_general3A_675 = tpu.matmul %convert_element_type3A_660, %get3A_673, %dot_general3A_674 {dimension_numbers = #tpu.dot_dimension_numbers<[1], [0], [0], [1], [0, 0, 1, 1], [], []>, transpose_lhs_hint = false} : vector<256x256xbf16>, vector<256x256xbf16>, vector<256x256xf32> -> vector<256x256xf32>
      %get3A_676 = arith.constant 0 : index
      %get3A_677 = arith.constant 0 : index
      %get3A_678 = vector.load %arg10[%get3A_676, %get3A_677] : memref<1x256xf32, #tpu.memory_space<vmem>>, vector<1x256xf32>
      %add3A_679 = vector.broadcast %get3A_678 : vector<1x256xf32> to vector<256x256xf32>
      %add3A_680 = arith.addf %dot_general3A_675, %add3A_679 : vector<256x256xf32>
      %get3A_681 = arith.index_cast %multiple_of3A : i32 to index
      %get3A_682 = arith.constant 0 : index
      %get3A_683 = vector.load %arg3[%get3A_681, %get3A_682] : memref<4864x1xf32, #tpu.memory_space<vmem>>, vector<256x1xf32>
      %mul3A_684 = vector.broadcast %get3A_683 : vector<256x1xf32> to vector<256x256xf32>
      %mul3A_685 = arith.mulf %add3A_670, %mul3A_684 : vector<256x256xf32>
      %sub3A_686 = arith.constant 1.000000e+00 : f32
      %sub3A_687 = vector.broadcast %sub3A_686 : f32 to vector<256x1xf32>
      %sub3A_688 = arith.subf %sub3A_687, %get3A_683 : vector<256x1xf32>
      %mul3A_689 = vector.broadcast %sub3A_688 : vector<256x1xf32> to vector<256x256xf32>
      %mul3A_690 = arith.mulf %add3A_680, %mul3A_689 : vector<256x256xf32>
      %add3A_691 = arith.addf %mul3A_685, %mul3A_690 : vector<256x256xf32>
      %swap3A_692 = arith.index_cast %multiple_of3A : i32 to index
      %swap3A_693 = arith.constant 0 : index
      %swap3A_694 = vector.load %arg18[%swap3A_692, %swap3A_693] : memref<5120x256xf32, #tpu.memory_space<vmem>>, vector<256x256xf32>
      tpu.vector_store %arg18[%swap3A_692, %swap3A_693], %add3A_691 {strides = array<i32>} : memref<5120x256xf32, #tpu.memory_space<vmem>>, vector<256x256xf32>,
    }
    %scan3A_3 = arith.constant 19 : i32
    %broadcast_in_dim3A = arith.constant 0.000000e+00 : f32
    %broadcast_in_dim3A_4 = vector.broadcast %broadcast_in_dim3A : f32 to vector<256x256xf32>
    %swap3A = arith.constant 4864 : index
    %swap3A_5 = arith.constant 0 : index
    %swap3A_6 = vector.load %arg18[%swap3A, %swap3A_5] : memref<5120x256xf32, #tpu.memory_space<vmem>>, vector<256x256xf32>
    tpu.vector_store %arg18[%swap3A, %swap3A_5], %broadcast_in_dim3A_4 {strides = array<i32>} : memref<5120x256xf32, #tpu.memory_space<vmem>>, vector<256x256xf32>,
    %iota3A = tpu.iota {dimensions = array<i32: 1>} : vector<256x272xi32>
    %get3A = arith.constant 0 : index
    %get3A_7 = arith.constant 0 : index
    %get3A_8 = vector.load %arg0[%get3A, %get3A_7] : memref<8448x1xi32, #tpu.memory_space<vmem>>, vector<256x1xi32>
    %eq3A = vector.broadcast %get3A_8 : vector<256x1xi32> to vector<256x272xi32>
    %eq3A_9 = arith.cmpi eq, %eq3A, %iota3A : vector<256x272xi32>
    %jit3A = arith.constant 1.000000e+00 : f32
    %jit3A_10 = arith.constant 0.000000e+00 : f32
    %broadcast_in_dim3A_11 = vector.broadcast %jit3A : f32 to vector<256x272xf32>
    %broadcast_in_dim3A_12 = vector.broadcast %jit3A_10 : f32 to vector<256x272xf32>
    %select_n3A = arith.select %eq3A_9, %broadcast_in_dim3A_11, %broadcast_in_dim3A_12 : vector<256x272xi1>, vector<256x272xf32>
    %get3A_13 = arith.constant 0 : index
    %get3A_14 = arith.constant 0 : index
    %get3A_15 = vector.load %arg18[%get3A_13, %get3A_14] : memref<5120x256xf32, #tpu.memory_space<vmem>>, vector<272x256xf32>
    %dot_general3A = arith.constant dense<0.000000e+00> : vector<256x256xf32>
    %dot_general3A_16 = tpu.matmul %select_n3A, %get3A_15, %dot_general3A {dimension_numbers = #tpu.dot_dimension_numbers<[1], [0], [0], [1], [0, 0, 1, 1], [], []>, transpose_lhs_hint = false} : vector<256x272xf32>, vector<272x256xf32>, vector<256x256xf32> -> vector<256x256xf32>
    %swap3A_17 = arith.constant 0 : index
    %swap3A_18 = arith.constant 0 : index
    %swap3A_19 = vector.load %arg19[%swap3A_17, %swap3A_18] : memref<8448x256xf32, #tpu.memory_space<vmem>>, vector<256x256xf32>
    tpu.vector_store %arg19[%swap3A_17, %swap3A_18], %dot_general3A_16 {strides = array<i32>} : memref<8448x256xf32, #tpu.memory_space<vmem>>, vector<256x256xf32>,
    %get3A_20 = arith.constant 256 : index
    %get3A_21 = arith.constant 0 : index
    %get3A_22 = vector.load %arg0[%get3A_20, %get3A_21] : memref<8448x1xi32, #tpu.memory_space<vmem>>, vector<256x1xi32>
    %eq3A_23 = vector.broadcast %get3A_22 : vector<256x1xi32> to vector<256x272xi32>
    %eq3A_24 = arith.cmpi eq, %eq3A_23, %iota3A : vector<256x272xi32>
    %jit3A_25 = arith.constant 1.000000e+00 : f32
    %jit3A_26 = arith.constant 0.000000e+00 : f32
    %broadcast_in_dim3A_27 = vector.broadcast %jit3A_25 : f32 to vector<256x272xf32>
    %broadcast_in_dim3A_28 = vector.broadcast %jit3A_26 : f32 to vector<256x272xf32>
    %select_n3A_29 = arith.select %eq3A_24, %broadcast_in_dim3A_27, %broadcast_in_dim3A_28 : vector<256x272xi1>, vector<256x272xf32>
    %get3A_30 = arith.constant 256 : index
    %get3A_31 = arith.constant 0 : index
    %get3A_32 = vector.load %arg18[%get3A_30, %get3A_31] : memref<5120x256xf32, #tpu.memory_space<vmem>>, vector<272x256xf32>
    %dot_general3A_33 = arith.constant dense<0.000000e+00> : vector<256x256xf32>
    %dot_general3A_34 = tpu.matmul %select_n3A_29, %get3A_32, %dot_general3A_33 {dimension_numbers = #tpu.dot_dimension_numbers<[1], [0], [0], [1], [0, 0, 1, 1], [], []>, transpose_lhs_hint = false} : vector<256x272xf32>, vector<272x256xf32>, vector<256x256xf32> -> vector<256x256xf32>
    %swap3A_35 = arith.constant 256 : index
    %swap3A_36 = arith.constant 0 : index
    %swap3A_37 = vector.load %arg19[%swap3A_35, %swap3A_36] : memref<8448x256xf32, #tpu.memory_space<vmem>>, vector<256x256xf32>
    tpu.vector_store %arg19[%swap3A_35, %swap3A_36], %dot_general3A_34 {strides = array<i32>} : memref<8448x256xf32, #tpu.memory_space<vmem>>, vector<256x256xf32>,
    %get3A_38 = arith.constant 512 : index
    %get3A_39 = arith.constant 0 : index
    %get3A_40 = vector.load %arg0[%get3A_38, %get3A_39] : memref<8448x1xi32, #tpu.memory_space<vmem>>, vector<256x1xi32>
    %eq3A_41 = vector.broadcast %get3A_40 : vector<256x1xi32> to vector<256x272xi32>
    %eq3A_42 = arith.cmpi eq, %eq3A_41, %iota3A : vector<256x272xi32>
    %jit3A_43 = arith.constant 1.000000e+00 : f32
    %jit3A_44 = arith.constant 0.000000e+00 : f32
    %broadcast_in_dim3A_45 = vector.broadcast %jit3A_43 : f32 to vector<256x272xf32>
    %broadcast_in_dim3A_46 = vector.broadcast %jit3A_44 : f32 to vector<256x272xf32>
    %select_n3A_47 = arith.select %eq3A_42, %broadcast_in_dim3A_45, %broadcast_in_dim3A_46 : vector<256x272xi1>, vector<256x272xf32>
    %get3A_48 = arith.constant 512 : index
    %get3A_49 = arith.constant 0 : index
    %get3A_50 = vector.load %arg18[%get3A_48, %get3A_49] : memref<5120x256xf32, #tpu.memory_space<vmem>>, vector<272x256xf32>
    %dot_general3A_51 = arith.constant dense<0.000000e+00> : vector<256x256xf32>
    %dot_general3A_52 = tpu.matmul %select_n3A_47, %get3A_50, %dot_general3A_51 {dimension_numbers = #tpu.dot_dimension_numbers<[1], [0], [0], [1], [0, 0, 1, 1], [], []>, transpose_lhs_hint = false} : vector<256x272xf32>, vector<272x256xf32>, vector<256x256xf32> -> vector<256x256xf32>
    %swap3A_53 = arith.constant 512 : index
    %swap3A_54 = arith.constant 0 : index
    %swap3A_55 = vector.load %arg19[%swap3A_53, %swap3A_54] : memref<8448x256xf32, #tpu.memory_space<vmem>>, vector<256x256xf32>
    tpu.vector_store %arg19[%swap3A_53, %swap3A_54], %dot_general3A_52 {strides = array<i32>} : memref<8448x256xf32, #tpu.memory_space<vmem>>, vector<256x256xf32>,
    %get3A_56 = arith.constant 768 : index
    %get3A_57 = arith.constant 0 : index
    %get3A_58 = vector.load %arg0[%get3A_56, %get3A_57] : memref<8448x1xi32, #tpu.memory_space<vmem>>, vector<256x1xi32>
    %eq3A_59 = vector.broadcast %get3A_58 : vector<256x1xi32> to vector<256x272xi32>
    %eq3A_60 = arith.cmpi eq, %eq3A_59, %iota3A : vector<256x272xi32>
    %jit3A_61 = arith.constant 1.000000e+00 : f32
    %jit3A_62 = arith.constant 0.000000e+00 : f32
    %broadcast_in_dim3A_63 = vector.broadcast %jit3A_61 : f32 to vector<256x272xf32>
    %broadcast_in_dim3A_64 = vector.broadcast %jit3A_62 : f32 to vector<256x272xf32>
    %select_n3A_65 = arith.select %eq3A_60, %broadcast_in_dim3A_63, %broadcast_in_dim3A_64 : vector<256x272xi1>, vector<256x272xf32>
    %get3A_66 = arith.constant 768 : index
    %get3A_67 = arith.constant 0 : index
    %get3A_68 = vector.load %arg18[%get3A_66, %get3A_67] : memref<5120x256xf32, #tpu.memory_space<vmem>>, vector<272x256xf32>
    %dot_general3A_69 = arith.constant dense<0.000000e+00> : vector<256x256xf32>
    %dot_general3A_70 = tpu.matmul %select_n3A_65, %get3A_68, %dot_general3A_69 {dimension_numbers = #tpu.dot_dimension_numbers<[1], [0], [0], [1], [0, 0, 1, 1], [], []>, transpose_lhs_hint = false} : vector<256x272xf32>, vector<272x256xf32>, vector<256x256xf32> -> vector<256x256xf32>
    %swap3A_71 = arith.constant 768 : index
    %swap3A_72 = arith.constant 0 : index
    %swap3A_73 = vector.load %arg19[%swap3A_71, %swap3A_72] : memref<8448x256xf32, #tpu.memory_space<vmem>>, vector<256x256xf32>
    tpu.vector_store %arg19[%swap3A_71, %swap3A_72], %dot_general3A_70 {strides = array<i32>} : memref<8448x256xf32, #tpu.memory_space<vmem>>, vector<256x256xf32>,
    %get3A_74 = arith.constant 1024 : index
    %get3A_75 = arith.constant 0 : index
    %get3A_76 = vector.load %arg0[%get3A_74, %get3A_75] : memref<8448x1xi32, #tpu.memory_space<vmem>>, vector<256x1xi32>
    %eq3A_77 = vector.broadcast %get3A_76 : vector<256x1xi32> to vector<256x272xi32>
    %eq3A_78 = arith.cmpi eq, %eq3A_77, %iota3A : vector<256x272xi32>
    %jit3A_79 = arith.constant 1.000000e+00 : f32
    %jit3A_80 = arith.constant 0.000000e+00 : f32
    %broadcast_in_dim3A_81 = vector.broadcast %jit3A_79 : f32 to vector<256x272xf32>
    %broadcast_in_dim3A_82 = vector.broadcast %jit3A_80 : f32 to vector<256x272xf32>
    %select_n3A_83 = arith.select %eq3A_78, %broadcast_in_dim3A_81, %broadcast_in_dim3A_82 : vector<256x272xi1>, vector<256x272xf32>
    %get3A_84 = arith.constant 1024 : index
    %get3A_85 = arith.constant 0 : index
    %get3A_86 = vector.load %arg18[%get3A_84, %get3A_85] : memref<5120x256xf32, #tpu.memory_space<vmem>>, vector<272x256xf32>
    %dot_general3A_87 = arith.constant dense<0.000000e+00> : vector<256x256xf32>
    %dot_general3A_88 = tpu.matmul %select_n3A_83, %get3A_86, %dot_general3A_87 {dimension_numbers = #tpu.dot_dimension_numbers<[1], [0], [0], [1], [0, 0, 1, 1], [], []>, transpose_lhs_hint = false} : vector<256x272xf32>, vector<272x256xf32>, vector<256x256xf32> -> vector<256x256xf32>
    %swap3A_89 = arith.constant 1024 : index
    %swap3A_90 = arith.constant 0 : index
    %swap3A_91 = vector.load %arg19[%swap3A_89, %swap3A_90] : memref<8448x256xf32, #tpu.memory_space<vmem>>, vector<256x256xf32>
    tpu.vector_store %arg19[%swap3A_89, %swap3A_90], %dot_general3A_88 {strides = array<i32>} : memref<8448x256xf32, #tpu.memory_space<vmem>>, vector<256x256xf32>,
    %get3A_92 = arith.constant 1280 : index
    %get3A_93 = arith.constant 0 : index
    %get3A_94 = vector.load %arg0[%get3A_92, %get3A_93] : memref<8448x1xi32, #tpu.memory_space<vmem>>, vector<256x1xi32>
    %eq3A_95 = vector.broadcast %get3A_94 : vector<256x1xi32> to vector<256x272xi32>
    %eq3A_96 = arith.cmpi eq, %eq3A_95, %iota3A : vector<256x272xi32>
    %jit3A_97 = arith.constant 1.000000e+00 : f32
    %jit3A_98 = arith.constant 0.000000e+00 : f32
    %broadcast_in_dim3A_99 = vector.broadcast %jit3A_97 : f32 to vector<256x272xf32>
    %broadcast_in_dim3A_100 = vector.broadcast %jit3A_98 : f32 to vector<256x272xf32>
    %select_n3A_101 = arith.select %eq3A_96, %broadcast_in_dim3A_99, %broadcast_in_dim3A_100 : vector<256x272xi1>, vector<256x272xf32>
    %get3A_102 = arith.constant 1280 : index
    %get3A_103 = arith.constant 0 : index
    %get3A_104 = vector.load %arg18[%get3A_102, %get3A_103] : memref<5120x256xf32, #tpu.memory_space<vmem>>, vector<272x256xf32>
    %dot_general3A_105 = arith.constant dense<0.000000e+00> : vector<256x256xf32>
    %dot_general3A_106 = tpu.matmul %select_n3A_101, %get3A_104, %dot_general3A_105 {dimension_numbers = #tpu.dot_dimension_numbers<[1], [0], [0], [1], [0, 0, 1, 1], [], []>, transpose_lhs_hint = false} : vector<256x272xf32>, vector<272x256xf32>, vector<256x256xf32> -> vector<256x256xf32>
    %swap3A_107 = arith.constant 1280 : index
    %swap3A_108 = arith.constant 0 : index
    %swap3A_109 = vector.load %arg19[%swap3A_107, %swap3A_108] : memref<8448x256xf32, #tpu.memory_space<vmem>>, vector<256x256xf32>
    tpu.vector_store %arg19[%swap3A_107, %swap3A_108], %dot_general3A_106 {strides = array<i32>} : memref<8448x256xf32, #tpu.memory_space<vmem>>, vector<256x256xf32>,
    %get3A_110 = arith.constant 1536 : index
    %get3A_111 = arith.constant 0 : index
    %get3A_112 = vector.load %arg0[%get3A_110, %get3A_111] : memref<8448x1xi32, #tpu.memory_space<vmem>>, vector<256x1xi32>
    %eq3A_113 = vector.broadcast %get3A_112 : vector<256x1xi32> to vector<256x272xi32>
    %eq3A_114 = arith.cmpi eq, %eq3A_113, %iota3A : vector<256x272xi32>
    %jit3A_115 = arith.constant 1.000000e+00 : f32
    %jit3A_116 = arith.constant 0.000000e+00 : f32
    %broadcast_in_dim3A_117 = vector.broadcast %jit3A_115 : f32 to vector<256x272xf32>
    %broadcast_in_dim3A_118 = vector.broadcast %jit3A_116 : f32 to vector<256x272xf32>
    %select_n3A_119 = arith.select %eq3A_114, %broadcast_in_dim3A_117, %broadcast_in_dim3A_118 : vector<256x272xi1>, vector<256x272xf32>
    %get3A_120 = arith.constant 1528 : index
    %get3A_121 = arith.constant 0 : index
    %get3A_122 = vector.load %arg18[%get3A_120, %get3A_121] : memref<5120x256xf32, #tpu.memory_space<vmem>>, vector<272x256xf32>
    %dot_general3A_123 = arith.constant dense<0.000000e+00> : vector<256x256xf32>
    %dot_general3A_124 = tpu.matmul %select_n3A_119, %get3A_122, %dot_general3A_123 {dimension_numbers = #tpu.dot_dimension_numbers<[1], [0], [0], [1], [0, 0, 1, 1], [], []>, transpose_lhs_hint = false} : vector<256x272xf32>, vector<272x256xf32>, vector<256x256xf32> -> vector<256x256xf32>
    %swap3A_125 = arith.constant 1536 : index
    %swap3A_126 = arith.constant 0 : index
    %swap3A_127 = vector.load %arg19[%swap3A_125, %swap3A_126] : memref<8448x256xf32, #tpu.memory_space<vmem>>, vector<256x256xf32>
    tpu.vector_store %arg19[%swap3A_125, %swap3A_126], %dot_general3A_124 {strides = array<i32>} : memref<8448x256xf32, #tpu.memory_space<vmem>>, vector<256x256xf32>,
    %get3A_128 = arith.constant 1792 : index
    %get3A_129 = arith.constant 0 : index
    %get3A_130 = vector.load %arg0[%get3A_128, %get3A_129] : memref<8448x1xi32, #tpu.memory_space<vmem>>, vector<256x1xi32>
    %eq3A_131 = vector.broadcast %get3A_130 : vector<256x1xi32> to vector<256x272xi32>
    %eq3A_132 = arith.cmpi eq, %eq3A_131, %iota3A : vector<256x272xi32>
    %jit3A_133 = arith.constant 1.000000e+00 : f32
    %jit3A_134 = arith.constant 0.000000e+00 : f32
    %broadcast_in_dim3A_135 = vector.broadcast %jit3A_133 : f32 to vector<256x272xf32>
    %broadcast_in_dim3A_136 = vector.broadcast %jit3A_134 : f32 to vector<256x272xf32>
    %select_n3A_137 = arith.select %eq3A_132, %broadcast_in_dim3A_135, %broadcast_in_dim3A_136 : vector<256x272xi1>, vector<256x272xf32>
    %get3A_138 = arith.constant 1768 : index
    %get3A_139 = arith.constant 0 : index
    %get3A_140 = vector.load %arg18[%get3A_138, %get3A_139] : memref<5120x256xf32, #tpu.memory_space<vmem>>, vector<272x256xf32>
    %dot_general3A_141 = arith.constant dense<0.000000e+00> : vector<256x256xf32>
    %dot_general3A_142 = tpu.matmul %select_n3A_137, %get3A_140, %dot_general3A_141 {dimension_numbers = #tpu.dot_dimension_numbers<[1], [0], [0], [1], [0, 0, 1, 1], [], []>, transpose_lhs_hint = false} : vector<256x272xf32>, vector<272x256xf32>, vector<256x256xf32> -> vector<256x256xf32>
    %swap3A_143 = arith.constant 1792 : index
    %swap3A_144 = arith.constant 0 : index
    %swap3A_145 = vector.load %arg19[%swap3A_143, %swap3A_144] : memref<8448x256xf32, #tpu.memory_space<vmem>>, vector<256x256xf32>
    tpu.vector_store %arg19[%swap3A_143, %swap3A_144], %dot_general3A_142 {strides = array<i32>} : memref<8448x256xf32, #tpu.memory_space<vmem>>, vector<256x256xf32>,
    %get3A_146 = arith.constant 2048 : index
    %get3A_147 = arith.constant 0 : index
    %get3A_148 = vector.load %arg0[%get3A_146, %get3A_147] : memref<8448x1xi32, #tpu.memory_space<vmem>>, vector<256x1xi32>
    %eq3A_149 = vector.broadcast %get3A_148 : vector<256x1xi32> to vector<256x272xi32>
    %eq3A_150 = arith.cmpi eq, %eq3A_149, %iota3A : vector<256x272xi32>
    %jit3A_151 = arith.constant 1.000000e+00 : f32
    %jit3A_152 = arith.constant 0.000000e+00 : f32
    %broadcast_in_dim3A_153 = vector.broadcast %jit3A_151 : f32 to vector<256x272xf32>
    %broadcast_in_dim3A_154 = vector.broadcast %jit3A_152 : f32 to vector<256x272xf32>
    %select_n3A_155 = arith.select %eq3A_150, %broadcast_in_dim3A_153, %broadcast_in_dim3A_154 : vector<256x272xi1>, vector<256x272xf32>
    %get3A_156 = arith.constant 2000 : index
    %get3A_157 = arith.constant 0 : index
    %get3A_158 = vector.load %arg18[%get3A_156, %get3A_157] : memref<5120x256xf32, #tpu.memory_space<vmem>>, vector<272x256xf32>
    %dot_general3A_159 = arith.constant dense<0.000000e+00> : vector<256x256xf32>
    %dot_general3A_160 = tpu.matmul %select_n3A_155, %get3A_158, %dot_general3A_159 {dimension_numbers = #tpu.dot_dimension_numbers<[1], [0], [0], [1], [0, 0, 1, 1], [], []>, transpose_lhs_hint = false} : vector<256x272xf32>, vector<272x256xf32>, vector<256x256xf32> -> vector<256x256xf32>
    %swap3A_161 = arith.constant 2048 : index
    %swap3A_162 = arith.constant 0 : index
    %swap3A_163 = vector.load %arg19[%swap3A_161, %swap3A_162] : memref<8448x256xf32, #tpu.memory_space<vmem>>, vector<256x256xf32>
    tpu.vector_store %arg19[%swap3A_161, %swap3A_162], %dot_general3A_160 {strides = array<i32>} : memref<8448x256xf32, #tpu.memory_space<vmem>>, vector<256x256xf32>,
    %get3A_164 = arith.constant 2304 : index
    %get3A_165 = arith.constant 0 : index
    %get3A_166 = vector.load %arg0[%get3A_164, %get3A_165] : memref<8448x1xi32, #tpu.memory_space<vmem>>, vector<256x1xi32>
    %eq3A_167 = vector.broadcast %get3A_166 : vector<256x1xi32> to vector<256x272xi32>
    %eq3A_168 = arith.cmpi eq, %eq3A_167, %iota3A : vector<256x272xi32>
    %jit3A_169 = arith.constant 1.000000e+00 : f32
    %jit3A_170 = arith.constant 0.000000e+00 : f32
    %broadcast_in_dim3A_171 = vector.broadcast %jit3A_169 : f32 to vector<256x272xf32>
    %broadcast_in_dim3A_172 = vector.broadcast %jit3A_170 : f32 to vector<256x272xf32>
    %select_n3A_173 = arith.select %eq3A_168, %broadcast_in_dim3A_171, %broadcast_in_dim3A_172 : vector<256x272xi1>, vector<256x272xf32>
    %get3A_174 = arith.constant 2224 : index
    %get3A_175 = arith.constant 0 : index
    %get3A_176 = vector.load %arg18[%get3A_174, %get3A_175] : memref<5120x256xf32, #tpu.memory_space<vmem>>, vector<272x256xf32>
    %dot_general3A_177 = arith.constant dense<0.000000e+00> : vector<256x256xf32>
    %dot_general3A_178 = tpu.matmul %select_n3A_173, %get3A_176, %dot_general3A_177 {dimension_numbers = #tpu.dot_dimension_numbers<[1], [0], [0], [1], [0, 0, 1, 1], [], []>, transpose_lhs_hint = false} : vector<256x272xf32>, vector<272x256xf32>, vector<256x256xf32> -> vector<256x256xf32>
    %swap3A_179 = arith.constant 2304 : index
    %swap3A_180 = arith.constant 0 : index
    %swap3A_181 = vector.load %arg19[%swap3A_179, %swap3A_180] : memref<8448x256xf32, #tpu.memory_space<vmem>>, vector<256x256xf32>
    tpu.vector_store %arg19[%swap3A_179, %swap3A_180], %dot_general3A_178 {strides = array<i32>} : memref<8448x256xf32, #tpu.memory_space<vmem>>, vector<256x256xf32>,
    %get3A_182 = arith.constant 2560 : index
    %get3A_183 = arith.constant 0 : index
    %get3A_184 = vector.load %arg0[%get3A_182, %get3A_183] : memref<8448x1xi32, #tpu.memory_space<vmem>>, vector<256x1xi32>
    %eq3A_185 = vector.broadcast %get3A_184 : vector<256x1xi32> to vector<256x272xi32>
    %eq3A_186 = arith.cmpi eq, %eq3A_185, %iota3A : vector<256x272xi32>
    %jit3A_187 = arith.constant 1.000000e+00 : f32
    %jit3A_188 = arith.constant 0.000000e+00 : f32
    %broadcast_in_dim3A_189 = vector.broadcast %jit3A_187 : f32 to vector<256x272xf32>
    %broadcast_in_dim3A_190 = vector.broadcast %jit3A_188 : f32 to vector<256x272xf32>
    %select_n3A_191 = arith.select %eq3A_186, %broadcast_in_dim3A_189, %broadcast_in_dim3A_190 : vector<256x272xi1>, vector<256x272xf32>
    %get3A_192 = arith.constant 2440 : index
    %get3A_193 = arith.constant 0 : index
    %get3A_194 = vector.load %arg18[%get3A_192, %get3A_193] : memref<5120x256xf32, #tpu.memory_space<vmem>>, vector<272x256xf32>
    %dot_general3A_195 = arith.constant dense<0.000000e+00> : vector<256x256xf32>
    %dot_general3A_196 = tpu.matmul %select_n3A_191, %get3A_194, %dot_general3A_195 {dimension_numbers = #tpu.dot_dimension_numbers<[1], [0], [0], [1], [0, 0, 1, 1], [], []>, transpose_lhs_hint = false} : vector<256x272xf32>, vector<272x256xf32>, vector<256x256xf32> -> vector<256x256xf32>
    %swap3A_197 = arith.constant 2560 : index
    %swap3A_198 = arith.constant 0 : index
    %swap3A_199 = vector.load %arg19[%swap3A_197, %swap3A_198] : memref<8448x256xf32, #tpu.memory_space<vmem>>, vector<256x256xf32>
    tpu.vector_store %arg19[%swap3A_197, %swap3A_198], %dot_general3A_196 {strides = array<i32>} : memref<8448x256xf32, #tpu.memory_space<vmem>>, vector<256x256xf32>,
    %get3A_200 = arith.constant 2816 : index
    %get3A_201 = arith.constant 0 : index
    %get3A_202 = vector.load %arg0[%get3A_200, %get3A_201] : memref<8448x1xi32, #tpu.memory_space<vmem>>, vector<256x1xi32>
    %eq3A_203 = vector.broadcast %get3A_202 : vector<256x1xi32> to vector<256x272xi32>
    %eq3A_204 = arith.cmpi eq, %eq3A_203, %iota3A : vector<256x272xi32>
    %jit3A_205 = arith.constant 1.000000e+00 : f32
    %jit3A_206 = arith.constant 0.000000e+00 : f32
    %broadcast_in_dim3A_207 = vector.broadcast %jit3A_205 : f32 to vector<256x272xf32>
    %broadcast_in_dim3A_208 = vector.broadcast %jit3A_206 : f32 to vector<256x272xf32>
    %select_n3A_209 = arith.select %eq3A_204, %broadcast_in_dim3A_207, %broadcast_in_dim3A_208 : vector<256x272xi1>, vector<256x272xf32>
    %get3A_210 = arith.constant 2648 : index
    %get3A_211 = arith.constant 0 : index
    %get3A_212 = vector.load %arg18[%get3A_210, %get3A_211] : memref<5120x256xf32, #tpu.memory_space<vmem>>, vector<272x256xf32>
    %dot_general3A_213 = arith.constant dense<0.000000e+00> : vector<256x256xf32>
    %dot_general3A_214 = tpu.matmul %select_n3A_209, %get3A_212, %dot_general3A_213 {dimension_numbers = #tpu.dot_dimension_numbers<[1], [0], [0], [1], [0, 0, 1, 1], [], []>, transpose_lhs_hint = false} : vector<256x272xf32>, vector<272x256xf32>, vector<256x256xf32> -> vector<256x256xf32>
    %swap3A_215 = arith.constant 2816 : index
    %swap3A_216 = arith.constant 0 : index
    %swap3A_217 = vector.load %arg19[%swap3A_215, %swap3A_216] : memref<8448x256xf32, #tpu.memory_space<vmem>>, vector<256x256xf32>
    tpu.vector_store %arg19[%swap3A_215, %swap3A_216], %dot_general3A_214 {strides = array<i32>} : memref<8448x256xf32, #tpu.memory_space<vmem>>, vector<256x256xf32>,
    %get3A_218 = arith.constant 3072 : index
    %get3A_219 = arith.constant 0 : index
    %get3A_220 = vector.load %arg0[%get3A_218, %get3A_219] : memref<8448x1xi32, #tpu.memory_space<vmem>>, vector<256x1xi32>
    %eq3A_221 = vector.broadcast %get3A_220 : vector<256x1xi32> to vector<256x272xi32>
    %eq3A_222 = arith.cmpi eq, %eq3A_221, %iota3A : vector<256x272xi32>
    %jit3A_223 = arith.constant 1.000000e+00 : f32
    %jit3A_224 = arith.constant 0.000000e+00 : f32
    %broadcast_in_dim3A_225 = vector.broadcast %jit3A_223 : f32 to vector<256x272xf32>
    %broadcast_in_dim3A_226 = vector.broadcast %jit3A_224 : f32 to vector<256x272xf32>
    %select_n3A_227 = arith.select %eq3A_222, %broadcast_in_dim3A_225, %broadcast_in_dim3A_226 : vector<256x272xi1>, vector<256x272xf32>
    %get3A_228 = arith.constant 2840 : index
    %get3A_229 = arith.constant 0 : index
    %get3A_230 = vector.load %arg18[%get3A_228, %get3A_229] : memref<5120x256xf32, #tpu.memory_space<vmem>>, vector<272x256xf32>
    %dot_general3A_231 = arith.constant dense<0.000000e+00> : vector<256x256xf32>
    %dot_general3A_232 = tpu.matmul %select_n3A_227, %get3A_230, %dot_general3A_231 {dimension_numbers = #tpu.dot_dimension_numbers<[1], [0], [0], [1], [0, 0, 1, 1], [], []>, transpose_lhs_hint = false} : vector<256x272xf32>, vector<272x256xf32>, vector<256x256xf32> -> vector<256x256xf32>
    %swap3A_233 = arith.constant 3072 : index
    %swap3A_234 = arith.constant 0 : index
    %swap3A_235 = vector.load %arg19[%swap3A_233, %swap3A_234] : memref<8448x256xf32, #tpu.memory_space<vmem>>, vector<256x256xf32>
    tpu.vector_store %arg19[%swap3A_233, %swap3A_234], %dot_general3A_232 {strides = array<i32>} : memref<8448x256xf32, #tpu.memory_space<vmem>>, vector<256x256xf32>,
    %get3A_236 = arith.constant 3328 : index
    %get3A_237 = arith.constant 0 : index
    %get3A_238 = vector.load %arg0[%get3A_236, %get3A_237] : memref<8448x1xi32, #tpu.memory_space<vmem>>, vector<256x1xi32>
    %eq3A_239 = vector.broadcast %get3A_238 : vector<256x1xi32> to vector<256x272xi32>
    %eq3A_240 = arith.cmpi eq, %eq3A_239, %iota3A : vector<256x272xi32>
    %jit3A_241 = arith.constant 1.000000e+00 : f32
    %jit3A_242 = arith.constant 0.000000e+00 : f32
    %broadcast_in_dim3A_243 = vector.broadcast %jit3A_241 : f32 to vector<256x272xf32>
    %broadcast_in_dim3A_244 = vector.broadcast %jit3A_242 : f32 to vector<256x272xf32>
    %select_n3A_245 = arith.select %eq3A_240, %broadcast_in_dim3A_243, %broadcast_in_dim3A_244 : vector<256x272xi1>, vector<256x272xf32>
    %get3A_246 = arith.constant 3024 : index
    %get3A_247 = arith.constant 0 : index
    %get3A_248 = vector.load %arg18[%get3A_246, %get3A_247] : memref<5120x256xf32, #tpu.memory_space<vmem>>, vector<272x256xf32>
    %dot_general3A_249 = arith.constant dense<0.000000e+00> : vector<256x256xf32>
    %dot_general3A_250 = tpu.matmul %select_n3A_245, %get3A_248, %dot_general3A_249 {dimension_numbers = #tpu.dot_dimension_numbers<[1], [0], [0], [1], [0, 0, 1, 1], [], []>, transpose_lhs_hint = false} : vector<256x272xf32>, vector<272x256xf32>, vector<256x256xf32> -> vector<256x256xf32>
    %swap3A_251 = arith.constant 3328 : index
    %swap3A_252 = arith.constant 0 : index
    %swap3A_253 = vector.load %arg19[%swap3A_251, %swap3A_252] : memref<8448x256xf32, #tpu.memory_space<vmem>>, vector<256x256xf32>
    tpu.vector_store %arg19[%swap3A_251, %swap3A_252], %dot_general3A_250 {strides = array<i32>} : memref<8448x256xf32, #tpu.memory_space<vmem>>, vector<256x256xf32>,
    %get3A_254 = arith.constant 3584 : index
    %get3A_255 = arith.constant 0 : index
    %get3A_256 = vector.load %arg0[%get3A_254, %get3A_255] : memref<8448x1xi32, #tpu.memory_space<vmem>>, vector<256x1xi32>
    %eq3A_257 = vector.broadcast %get3A_256 : vector<256x1xi32> to vector<256x272xi32>
    %eq3A_258 = arith.cmpi eq, %eq3A_257, %iota3A : vector<256x272xi32>
    %jit3A_259 = arith.constant 1.000000e+00 : f32
    %jit3A_260 = arith.constant 0.000000e+00 : f32
    %broadcast_in_dim3A_261 = vector.broadcast %jit3A_259 : f32 to vector<256x272xf32>
    %broadcast_in_dim3A_262 = vector.broadcast %jit3A_260 : f32 to vector<256x272xf32>
    %select_n3A_263 = arith.select %eq3A_258, %broadcast_in_dim3A_261, %broadcast_in_dim3A_262 : vector<256x272xi1>, vector<256x272xf32>
    %get3A_264 = arith.constant 3200 : index
    %get3A_265 = arith.constant 0 : index
    %get3A_266 = vector.load %arg18[%get3A_264, %get3A_265] : memref<5120x256xf32, #tpu.memory_space<vmem>>, vector<272x256xf32>
    %dot_general3A_267 = arith.constant dense<0.000000e+00> : vector<256x256xf32>
    %dot_general3A_268 = tpu.matmul %select_n3A_263, %get3A_266, %dot_general3A_267 {dimension_numbers = #tpu.dot_dimension_numbers<[1], [0], [0], [1], [0, 0, 1, 1], [], []>, transpose_lhs_hint = false} : vector<256x272xf32>, vector<272x256xf32>, vector<256x256xf32> -> vector<256x256xf32>
    %swap3A_269 = arith.constant 3584 : index
    %swap3A_270 = arith.constant 0 : index
    %swap3A_271 = vector.load %arg19[%swap3A_269, %swap3A_270] : memref<8448x256xf32, #tpu.memory_space<vmem>>, vector<256x256xf32>
    tpu.vector_store %arg19[%swap3A_269, %swap3A_270], %dot_general3A_268 {strides = array<i32>} : memref<8448x256xf32, #tpu.memory_space<vmem>>, vector<256x256xf32>,
    %get3A_272 = arith.constant 3840 : index
    %get3A_273 = arith.constant 0 : index
    %get3A_274 = vector.load %arg0[%get3A_272, %get3A_273] : memref<8448x1xi32, #tpu.memory_space<vmem>>, vector<256x1xi32>
    %eq3A_275 = vector.broadcast %get3A_274 : vector<256x1xi32> to vector<256x272xi32>
    %eq3A_276 = arith.cmpi eq, %eq3A_275, %iota3A : vector<256x272xi32>
    %jit3A_277 = arith.constant 1.000000e+00 : f32
    %jit3A_278 = arith.constant 0.000000e+00 : f32
    %broadcast_in_dim3A_279 = vector.broadcast %jit3A_277 : f32 to vector<256x272xf32>
    %broadcast_in_dim3A_280 = vector.broadcast %jit3A_278 : f32 to vector<256x272xf32>
    %select_n3A_281 = arith.select %eq3A_276, %broadcast_in_dim3A_279, %broadcast_in_dim3A_280 : vector<256x272xi1>, vector<256x272xf32>
    %get3A_282 = arith.constant 3368 : index
    %get3A_283 = arith.constant 0 : index
    %get3A_284 = vector.load %arg18[%get3A_282, %get3A_283] : memref<5120x256xf32, #tpu.memory_space<vmem>>, vector<272x256xf32>
    %dot_general3A_285 = arith.constant dense<0.000000e+00> : vector<256x256xf32>
    %dot_general3A_286 = tpu.matmul %select_n3A_281, %get3A_284, %dot_general3A_285 {dimension_numbers = #tpu.dot_dimension_numbers<[1], [0], [0], [1], [0, 0, 1, 1], [], []>, transpose_lhs_hint = false} : vector<256x272xf32>, vector<272x256xf32>, vector<256x256xf32> -> vector<256x256xf32>
    %swap3A_287 = arith.constant 3840 : index
    %swap3A_288 = arith.constant 0 : index
    %swap3A_289 = vector.load %arg19[%swap3A_287, %swap3A_288] : memref<8448x256xf32, #tpu.memory_space<vmem>>, vector<256x256xf32>
    tpu.vector_store %arg19[%swap3A_287, %swap3A_288], %dot_general3A_286 {strides = array<i32>} : memref<8448x256xf32, #tpu.memory_space<vmem>>, vector<256x256xf32>,
    %get3A_290 = arith.constant 4096 : index
    %get3A_291 = arith.constant 0 : index
    %get3A_292 = vector.load %arg0[%get3A_290, %get3A_291] : memref<8448x1xi32, #tpu.memory_space<vmem>>, vector<256x1xi32>
    %eq3A_293 = vector.broadcast %get3A_292 : vector<256x1xi32> to vector<256x272xi32>
    %eq3A_294 = arith.cmpi eq, %eq3A_293, %iota3A : vector<256x272xi32>
    %jit3A_295 = arith.constant 1.000000e+00 : f32
    %jit3A_296 = arith.constant 0.000000e+00 : f32
    %broadcast_in_dim3A_297 = vector.broadcast %jit3A_295 : f32 to vector<256x272xf32>
    %broadcast_in_dim3A_298 = vector.broadcast %jit3A_296 : f32 to vector<256x272xf32>
    %select_n3A_299 = arith.select %eq3A_294, %broadcast_in_dim3A_297, %broadcast_in_dim3A_298 : vector<256x272xi1>, vector<256x272xf32>
    %get3A_300 = arith.constant 3528 : index
    %get3A_301 = arith.constant 0 : index
    %get3A_302 = vector.load %arg18[%get3A_300, %get3A_301] : memref<5120x256xf32, #tpu.memory_space<vmem>>, vector<272x256xf32>
    %dot_general3A_303 = arith.constant dense<0.000000e+00> : vector<256x256xf32>
    %dot_general3A_304 = tpu.matmul %select_n3A_299, %get3A_302, %dot_general3A_303 {dimension_numbers = #tpu.dot_dimension_numbers<[1], [0], [0], [1], [0, 0, 1, 1], [], []>, transpose_lhs_hint = false} : vector<256x272xf32>, vector<272x256xf32>, vector<256x256xf32> -> vector<256x256xf32>
    %swap3A_305 = arith.constant 4096 : index
    %swap3A_306 = arith.constant 0 : index
    %swap3A_307 = vector.load %arg19[%swap3A_305, %swap3A_306] : memref<8448x256xf32, #tpu.memory_space<vmem>>, vector<256x256xf32>
    tpu.vector_store %arg19[%swap3A_305, %swap3A_306], %dot_general3A_304 {strides = array<i32>} : memref<8448x256xf32, #tpu.memory_space<vmem>>, vector<256x256xf32>,
    %get3A_308 = arith.constant 4352 : index
    %get3A_309 = arith.constant 0 : index
    %get3A_310 = vector.load %arg0[%get3A_308, %get3A_309] : memref<8448x1xi32, #tpu.memory_space<vmem>>, vector<256x1xi32>
    %eq3A_311 = vector.broadcast %get3A_310 : vector<256x1xi32> to vector<256x272xi32>
    %eq3A_312 = arith.cmpi eq, %eq3A_311, %iota3A : vector<256x272xi32>
    %jit3A_313 = arith.constant 1.000000e+00 : f32
    %jit3A_314 = arith.constant 0.000000e+00 : f32
    %broadcast_in_dim3A_315 = vector.broadcast %jit3A_313 : f32 to vector<256x272xf32>
    %broadcast_in_dim3A_316 = vector.broadcast %jit3A_314 : f32 to vector<256x272xf32>
    %select_n3A_317 = arith.select %eq3A_312, %broadcast_in_dim3A_315, %broadcast_in_dim3A_316 : vector<256x272xi1>, vector<256x272xf32>
    %get3A_318 = arith.constant 3680 : index
    %get3A_319 = arith.constant 0 : index
    %get3A_320 = vector.load %arg18[%get3A_318, %get3A_319] : memref<5120x256xf32, #tpu.memory_space<vmem>>, vector<272x256xf32>
    %dot_general3A_321 = arith.constant dense<0.000000e+00> : vector<256x256xf32>
    %dot_general3A_322 = tpu.matmul %select_n3A_317, %get3A_320, %dot_general3A_321 {dimension_numbers = #tpu.dot_dimension_numbers<[1], [0], [0], [1], [0, 0, 1, 1], [], []>, transpose_lhs_hint = false} : vector<256x272xf32>, vector<272x256xf32>, vector<256x256xf32> -> vector<256x256xf32>
    %swap3A_323 = arith.constant 4352 : index
    %swap3A_324 = arith.constant 0 : index
    %swap3A_325 = vector.load %arg19[%swap3A_323, %swap3A_324] : memref<8448x256xf32, #tpu.memory_space<vmem>>, vector<256x256xf32>
    tpu.vector_store %arg19[%swap3A_323, %swap3A_324], %dot_general3A_322 {strides = array<i32>} : memref<8448x256xf32, #tpu.memory_space<vmem>>, vector<256x256xf32>,
    %get3A_326 = arith.constant 4608 : index
    %get3A_327 = arith.constant 0 : index
    %get3A_328 = vector.load %arg0[%get3A_326, %get3A_327] : memref<8448x1xi32, #tpu.memory_space<vmem>>, vector<256x1xi32>
    %eq3A_329 = vector.broadcast %get3A_328 : vector<256x1xi32> to vector<256x272xi32>
    %eq3A_330 = arith.cmpi eq, %eq3A_329, %iota3A : vector<256x272xi32>
    %jit3A_331 = arith.constant 1.000000e+00 : f32
    %jit3A_332 = arith.constant 0.000000e+00 : f32
    %broadcast_in_dim3A_333 = vector.broadcast %jit3A_331 : f32 to vector<256x272xf32>
    %broadcast_in_dim3A_334 = vector.broadcast %jit3A_332 : f32 to vector<256x272xf32>
    %select_n3A_335 = arith.select %eq3A_330, %broadcast_in_dim3A_333, %broadcast_in_dim3A_334 : vector<256x272xi1>, vector<256x272xf32>
    %get3A_336 = arith.constant 3824 : index
    %get3A_337 = arith.constant 0 : index
    %get3A_338 = vector.load %arg18[%get3A_336, %get3A_337] : memref<5120x256xf32, #tpu.memory_space<vmem>>, vector<272x256xf32>
    %dot_general3A_339 = arith.constant dense<0.000000e+00> : vector<256x256xf32>
    %dot_general3A_340 = tpu.matmul %select_n3A_335, %get3A_338, %dot_general3A_339 {dimension_numbers = #tpu.dot_dimension_numbers<[1], [0], [0], [1], [0, 0, 1, 1], [], []>, transpose_lhs_hint = false} : vector<256x272xf32>, vector<272x256xf32>, vector<256x256xf32> -> vector<256x256xf32>
    %swap3A_341 = arith.constant 4608 : index
    %swap3A_342 = arith.constant 0 : index
    %swap3A_343 = vector.load %arg19[%swap3A_341, %swap3A_342] : memref<8448x256xf32, #tpu.memory_space<vmem>>, vector<256x256xf32>
    tpu.vector_store %arg19[%swap3A_341, %swap3A_342], %dot_general3A_340 {strides = array<i32>} : memref<8448x256xf32, #tpu.memory_space<vmem>>, vector<256x256xf32>,
    %get3A_344 = arith.constant 4864 : index
    %get3A_345 = arith.constant 0 : index
    %get3A_346 = vector.load %arg0[%get3A_344, %get3A_345] : memref<8448x1xi32, #tpu.memory_space<vmem>>, vector<256x1xi32>
    %eq3A_347 = vector.broadcast %get3A_346 : vector<256x1xi32> to vector<256x272xi32>
    %eq3A_348 = arith.cmpi eq, %eq3A_347, %iota3A : vector<256x272xi32>
    %jit3A_349 = arith.constant 1.000000e+00 : f32
    %jit3A_350 = arith.constant 0.000000e+00 : f32
    %broadcast_in_dim3A_351 = vector.broadcast %jit3A_349 : f32 to vector<256x272xf32>
    %broadcast_in_dim3A_352 = vector.broadcast %jit3A_350 : f32 to vector<256x272xf32>
    %select_n3A_353 = arith.select %eq3A_348, %broadcast_in_dim3A_351, %broadcast_in_dim3A_352 : vector<256x272xi1>, vector<256x272xf32>
    %get3A_354 = arith.constant 3952 : index
    %get3A_355 = arith.constant 0 : index
    %get3A_356 = vector.load %arg18[%get3A_354, %get3A_355] : memref<5120x256xf32, #tpu.memory_space<vmem>>, vector<272x256xf32>
    %dot_general3A_357 = arith.constant dense<0.000000e+00> : vector<256x256xf32>
    %dot_general3A_358 = tpu.matmul %select_n3A_353, %get3A_356, %dot_general3A_357 {dimension_numbers = #tpu.dot_dimension_numbers<[1], [0], [0], [1], [0, 0, 1, 1], [], []>, transpose_lhs_hint = false} : vector<256x272xf32>, vector<272x256xf32>, vector<256x256xf32> -> vector<256x256xf32>
    %swap3A_359 = arith.constant 4864 : index
    %swap3A_360 = arith.constant 0 : index
    %swap3A_361 = vector.load %arg19[%swap3A_359, %swap3A_360] : memref<8448x256xf32, #tpu.memory_space<vmem>>, vector<256x256xf32>
    tpu.vector_store %arg19[%swap3A_359, %swap3A_360], %dot_general3A_358 {strides = array<i32>} : memref<8448x256xf32, #tpu.memory_space<vmem>>, vector<256x256xf32>,
    %get3A_362 = arith.constant 5120 : index
    %get3A_363 = arith.constant 0 : index
    %get3A_364 = vector.load %arg0[%get3A_362, %get3A_363] : memref<8448x1xi32, #tpu.memory_space<vmem>>, vector<256x1xi32>
    %eq3A_365 = vector.broadcast %get3A_364 : vector<256x1xi32> to vector<256x272xi32>
    %eq3A_366 = arith.cmpi eq, %eq3A_365, %iota3A : vector<256x272xi32>
    %jit3A_367 = arith.constant 1.000000e+00 : f32
    %jit3A_368 = arith.constant 0.000000e+00 : f32
    %broadcast_in_dim3A_369 = vector.broadcast %jit3A_367 : f32 to vector<256x272xf32>
    %broadcast_in_dim3A_370 = vector.broadcast %jit3A_368 : f32 to vector<256x272xf32>
    %select_n3A_371 = arith.select %eq3A_366, %broadcast_in_dim3A_369, %broadcast_in_dim3A_370 : vector<256x272xi1>, vector<256x272xf32>
    %get3A_372 = arith.constant 4072 : index
    %get3A_373 = arith.constant 0 : index
    %get3A_374 = vector.load %arg18[%get3A_372, %get3A_373] : memref<5120x256xf32, #tpu.memory_space<vmem>>, vector<272x256xf32>
    %dot_general3A_375 = arith.constant dense<0.000000e+00> : vector<256x256xf32>
    %dot_general3A_376 = tpu.matmul %select_n3A_371, %get3A_374, %dot_general3A_375 {dimension_numbers = #tpu.dot_dimension_numbers<[1], [0], [0], [1], [0, 0, 1, 1], [], []>, transpose_lhs_hint = false} : vector<256x272xf32>, vector<272x256xf32>, vector<256x256xf32> -> vector<256x256xf32>
    %swap3A_377 = arith.constant 5120 : index
    %swap3A_378 = arith.constant 0 : index
    %swap3A_379 = vector.load %arg19[%swap3A_377, %swap3A_378] : memref<8448x256xf32, #tpu.memory_space<vmem>>, vector<256x256xf32>
    tpu.vector_store %arg19[%swap3A_377, %swap3A_378], %dot_general3A_376 {strides = array<i32>} : memref<8448x256xf32, #tpu.memory_space<vmem>>, vector<256x256xf32>,
    %get3A_380 = arith.constant 5376 : index
    %get3A_381 = arith.constant 0 : index
    %get3A_382 = vector.load %arg0[%get3A_380, %get3A_381] : memref<8448x1xi32, #tpu.memory_space<vmem>>, vector<256x1xi32>
    %eq3A_383 = vector.broadcast %get3A_382 : vector<256x1xi32> to vector<256x272xi32>
    %eq3A_384 = arith.cmpi eq, %eq3A_383, %iota3A : vector<256x272xi32>
    %jit3A_385 = arith.constant 1.000000e+00 : f32
    %jit3A_386 = arith.constant 0.000000e+00 : f32
    %broadcast_in_dim3A_387 = vector.broadcast %jit3A_385 : f32 to vector<256x272xf32>
    %broadcast_in_dim3A_388 = vector.broadcast %jit3A_386 : f32 to vector<256x272xf32>
    %select_n3A_389 = arith.select %eq3A_384, %broadcast_in_dim3A_387, %broadcast_in_dim3A_388 : vector<256x272xi1>, vector<256x272xf32>
    %get3A_390 = arith.constant 4184 : index
    %get3A_391 = arith.constant 0 : index
    %get3A_392 = vector.load %arg18[%get3A_390, %get3A_391] : memref<5120x256xf32, #tpu.memory_space<vmem>>, vector<272x256xf32>
    %dot_general3A_393 = arith.constant dense<0.000000e+00> : vector<256x256xf32>
    %dot_general3A_394 = tpu.matmul %select_n3A_389, %get3A_392, %dot_general3A_393 {dimension_numbers = #tpu.dot_dimension_numbers<[1], [0], [0], [1], [0, 0, 1, 1], [], []>, transpose_lhs_hint = false} : vector<256x272xf32>, vector<272x256xf32>, vector<256x256xf32> -> vector<256x256xf32>
    %swap3A_395 = arith.constant 5376 : index
    %swap3A_396 = arith.constant 0 : index
    %swap3A_397 = vector.load %arg19[%swap3A_395, %swap3A_396] : memref<8448x256xf32, #tpu.memory_space<vmem>>, vector<256x256xf32>
    tpu.vector_store %arg19[%swap3A_395, %swap3A_396], %dot_general3A_394 {strides = array<i32>} : memref<8448x256xf32, #tpu.memory_space<vmem>>, vector<256x256xf32>,
    %get3A_398 = arith.constant 5632 : index
    %get3A_399 = arith.constant 0 : index
    %get3A_400 = vector.load %arg0[%get3A_398, %get3A_399] : memref<8448x1xi32, #tpu.memory_space<vmem>>, vector<256x1xi32>
    %eq3A_401 = vector.broadcast %get3A_400 : vector<256x1xi32> to vector<256x272xi32>
    %eq3A_402 = arith.cmpi eq, %eq3A_401, %iota3A : vector<256x272xi32>
    %jit3A_403 = arith.constant 1.000000e+00 : f32
    %jit3A_404 = arith.constant 0.000000e+00 : f32
    %broadcast_in_dim3A_405 = vector.broadcast %jit3A_403 : f32 to vector<256x272xf32>
    %broadcast_in_dim3A_406 = vector.broadcast %jit3A_404 : f32 to vector<256x272xf32>
    %select_n3A_407 = arith.select %eq3A_402, %broadcast_in_dim3A_405, %broadcast_in_dim3A_406 : vector<256x272xi1>, vector<256x272xf32>
    %get3A_408 = arith.constant 4288 : index
    %get3A_409 = arith.constant 0 : index
    %get3A_410 = vector.load %arg18[%get3A_408, %get3A_409] : memref<5120x256xf32, #tpu.memory_space<vmem>>, vector<272x256xf32>
    %dot_general3A_411 = arith.constant dense<0.000000e+00> : vector<256x256xf32>
    %dot_general3A_412 = tpu.matmul %select_n3A_407, %get3A_410, %dot_general3A_411 {dimension_numbers = #tpu.dot_dimension_numbers<[1], [0], [0], [1], [0, 0, 1, 1], [], []>, transpose_lhs_hint = false} : vector<256x272xf32>, vector<272x256xf32>, vector<256x256xf32> -> vector<256x256xf32>
    %swap3A_413 = arith.constant 5632 : index
    %swap3A_414 = arith.constant 0 : index
    %swap3A_415 = vector.load %arg19[%swap3A_413, %swap3A_414] : memref<8448x256xf32, #tpu.memory_space<vmem>>, vector<256x256xf32>
    tpu.vector_store %arg19[%swap3A_413, %swap3A_414], %dot_general3A_412 {strides = array<i32>} : memref<8448x256xf32, #tpu.memory_space<vmem>>, vector<256x256xf32>,
    %get3A_416 = arith.constant 5888 : index
    %get3A_417 = arith.constant 0 : index
    %get3A_418 = vector.load %arg0[%get3A_416, %get3A_417] : memref<8448x1xi32, #tpu.memory_space<vmem>>, vector<256x1xi32>
    %eq3A_419 = vector.broadcast %get3A_418 : vector<256x1xi32> to vector<256x272xi32>
    %eq3A_420 = arith.cmpi eq, %eq3A_419, %iota3A : vector<256x272xi32>
    %jit3A_421 = arith.constant 1.000000e+00 : f32
    %jit3A_422 = arith.constant 0.000000e+00 : f32
    %broadcast_in_dim3A_423 = vector.broadcast %jit3A_421 : f32 to vector<256x272xf32>
    %broadcast_in_dim3A_424 = vector.broadcast %jit3A_422 : f32 to vector<256x272xf32>
    %select_n3A_425 = arith.select %eq3A_420, %broadcast_in_dim3A_423, %broadcast_in_dim3A_424 : vector<256x272xi1>, vector<256x272xf32>
    %get3A_426 = arith.constant 4384 : index
    %get3A_427 = arith.constant 0 : index
    %get3A_428 = vector.load %arg18[%get3A_426, %get3A_427] : memref<5120x256xf32, #tpu.memory_space<vmem>>, vector<272x256xf32>
    %dot_general3A_429 = arith.constant dense<0.000000e+00> : vector<256x256xf32>
    %dot_general3A_430 = tpu.matmul %select_n3A_425, %get3A_428, %dot_general3A_429 {dimension_numbers = #tpu.dot_dimension_numbers<[1], [0], [0], [1], [0, 0, 1, 1], [], []>, transpose_lhs_hint = false} : vector<256x272xf32>, vector<272x256xf32>, vector<256x256xf32> -> vector<256x256xf32>
    %swap3A_431 = arith.constant 5888 : index
    %swap3A_432 = arith.constant 0 : index
    %swap3A_433 = vector.load %arg19[%swap3A_431, %swap3A_432] : memref<8448x256xf32, #tpu.memory_space<vmem>>, vector<256x256xf32>
    tpu.vector_store %arg19[%swap3A_431, %swap3A_432], %dot_general3A_430 {strides = array<i32>} : memref<8448x256xf32, #tpu.memory_space<vmem>>, vector<256x256xf32>,
    %get3A_434 = arith.constant 6144 : index
    %get3A_435 = arith.constant 0 : index
    %get3A_436 = vector.load %arg0[%get3A_434, %get3A_435] : memref<8448x1xi32, #tpu.memory_space<vmem>>, vector<256x1xi32>
    %eq3A_437 = vector.broadcast %get3A_436 : vector<256x1xi32> to vector<256x272xi32>
    %eq3A_438 = arith.cmpi eq, %eq3A_437, %iota3A : vector<256x272xi32>
    %jit3A_439 = arith.constant 1.000000e+00 : f32
    %jit3A_440 = arith.constant 0.000000e+00 : f32
    %broadcast_in_dim3A_441 = vector.broadcast %jit3A_439 : f32 to vector<256x272xf32>
    %broadcast_in_dim3A_442 = vector.broadcast %jit3A_440 : f32 to vector<256x272xf32>
    %select_n3A_443 = arith.select %eq3A_438, %broadcast_in_dim3A_441, %broadcast_in_dim3A_442 : vector<256x272xi1>, vector<256x272xf32>
    %get3A_444 = arith.constant 4472 : index
    %get3A_445 = arith.constant 0 : index
    %get3A_446 = vector.load %arg18[%get3A_444, %get3A_445] : memref<5120x256xf32, #tpu.memory_space<vmem>>, vector<272x256xf32>
    %dot_general3A_447 = arith.constant dense<0.000000e+00> : vector<256x256xf32>
    %dot_general3A_448 = tpu.matmul %select_n3A_443, %get3A_446, %dot_general3A_447 {dimension_numbers = #tpu.dot_dimension_numbers<[1], [0], [0], [1], [0, 0, 1, 1], [], []>, transpose_lhs_hint = false} : vector<256x272xf32>, vector<272x256xf32>, vector<256x256xf32> -> vector<256x256xf32>
    %swap3A_449 = arith.constant 6144 : index
    %swap3A_450 = arith.constant 0 : index
    %swap3A_451 = vector.load %arg19[%swap3A_449, %swap3A_450] : memref<8448x256xf32, #tpu.memory_space<vmem>>, vector<256x256xf32>
    tpu.vector_store %arg19[%swap3A_449, %swap3A_450], %dot_general3A_448 {strides = array<i32>} : memref<8448x256xf32, #tpu.memory_space<vmem>>, vector<256x256xf32>,
    %get3A_452 = arith.constant 6400 : index
    %get3A_453 = arith.constant 0 : index
    %get3A_454 = vector.load %arg0[%get3A_452, %get3A_453] : memref<8448x1xi32, #tpu.memory_space<vmem>>, vector<256x1xi32>
    %eq3A_455 = vector.broadcast %get3A_454 : vector<256x1xi32> to vector<256x272xi32>
    %eq3A_456 = arith.cmpi eq, %eq3A_455, %iota3A : vector<256x272xi32>
    %jit3A_457 = arith.constant 1.000000e+00 : f32
    %jit3A_458 = arith.constant 0.000000e+00 : f32
    %broadcast_in_dim3A_459 = vector.broadcast %jit3A_457 : f32 to vector<256x272xf32>
    %broadcast_in_dim3A_460 = vector.broadcast %jit3A_458 : f32 to vector<256x272xf32>
    %select_n3A_461 = arith.select %eq3A_456, %broadcast_in_dim3A_459, %broadcast_in_dim3A_460 : vector<256x272xi1>, vector<256x272xf32>
    %get3A_462 = arith.constant 4552 : index
    %get3A_463 = arith.constant 0 : index
    %get3A_464 = vector.load %arg18[%get3A_462, %get3A_463] : memref<5120x256xf32, #tpu.memory_space<vmem>>, vector<272x256xf32>
    %dot_general3A_465 = arith.constant dense<0.000000e+00> : vector<256x256xf32>
    %dot_general3A_466 = tpu.matmul %select_n3A_461, %get3A_464, %dot_general3A_465 {dimension_numbers = #tpu.dot_dimension_numbers<[1], [0], [0], [1], [0, 0, 1, 1], [], []>, transpose_lhs_hint = false} : vector<256x272xf32>, vector<272x256xf32>, vector<256x256xf32> -> vector<256x256xf32>
    %swap3A_467 = arith.constant 6400 : index
    %swap3A_468 = arith.constant 0 : index
    %swap3A_469 = vector.load %arg19[%swap3A_467, %swap3A_468] : memref<8448x256xf32, #tpu.memory_space<vmem>>, vector<256x256xf32>
    tpu.vector_store %arg19[%swap3A_467, %swap3A_468], %dot_general3A_466 {strides = array<i32>} : memref<8448x256xf32, #tpu.memory_space<vmem>>, vector<256x256xf32>,
    %get3A_470 = arith.constant 6656 : index
    %get3A_471 = arith.constant 0 : index
    %get3A_472 = vector.load %arg0[%get3A_470, %get3A_471] : memref<8448x1xi32, #tpu.memory_space<vmem>>, vector<256x1xi32>
    %eq3A_473 = vector.broadcast %get3A_472 : vector<256x1xi32> to vector<256x272xi32>
    %eq3A_474 = arith.cmpi eq, %eq3A_473, %iota3A : vector<256x272xi32>
    %jit3A_475 = arith.constant 1.000000e+00 : f32
    %jit3A_476 = arith.constant 0.000000e+00 : f32
    %broadcast_in_dim3A_477 = vector.broadcast %jit3A_475 : f32 to vector<256x272xf32>
    %broadcast_in_dim3A_478 = vector.broadcast %jit3A_476 : f32 to vector<256x272xf32>
    %select_n3A_479 = arith.select %eq3A_474, %broadcast_in_dim3A_477, %broadcast_in_dim3A_478 : vector<256x272xi1>, vector<256x272xf32>
    %get3A_480 = arith.constant 4616 : index
    %get3A_481 = arith.constant 0 : index
    %get3A_482 = vector.load %arg18[%get3A_480, %get3A_481] : memref<5120x256xf32, #tpu.memory_space<vmem>>, vector<272x256xf32>
    %dot_general3A_483 = arith.constant dense<0.000000e+00> : vector<256x256xf32>
    %dot_general3A_484 = tpu.matmul %select_n3A_479, %get3A_482, %dot_general3A_483 {dimension_numbers = #tpu.dot_dimension_numbers<[1], [0], [0], [1], [0, 0, 1, 1], [], []>, transpose_lhs_hint = false} : vector<256x272xf32>, vector<272x256xf32>, vector<256x256xf32> -> vector<256x256xf32>
    %swap3A_485 = arith.constant 6656 : index
    %swap3A_486 = arith.constant 0 : index
    %swap3A_487 = vector.load %arg19[%swap3A_485, %swap3A_486] : memref<8448x256xf32, #tpu.memory_space<vmem>>, vector<256x256xf32>
    tpu.vector_store %arg19[%swap3A_485, %swap3A_486], %dot_general3A_484 {strides = array<i32>} : memref<8448x256xf32, #tpu.memory_space<vmem>>, vector<256x256xf32>,
    %get3A_488 = arith.constant 6912 : index
    %get3A_489 = arith.constant 0 : index
    %get3A_490 = vector.load %arg0[%get3A_488, %get3A_489] : memref<8448x1xi32, #tpu.memory_space<vmem>>, vector<256x1xi32>
    %eq3A_491 = vector.broadcast %get3A_490 : vector<256x1xi32> to vector<256x272xi32>
    %eq3A_492 = arith.cmpi eq, %eq3A_491, %iota3A : vector<256x272xi32>
    %jit3A_493 = arith.constant 1.000000e+00 : f32
    %jit3A_494 = arith.constant 0.000000e+00 : f32
    %broadcast_in_dim3A_495 = vector.broadcast %jit3A_493 : f32 to vector<256x272xf32>
    %broadcast_in_dim3A_496 = vector.broadcast %jit3A_494 : f32 to vector<256x272xf32>
    %select_n3A_497 = arith.select %eq3A_492, %broadcast_in_dim3A_495, %broadcast_in_dim3A_496 : vector<256x272xi1>, vector<256x272xf32>
    %get3A_498 = arith.constant 4672 : index
    %get3A_499 = arith.constant 0 : index
    %get3A_500 = vector.load %arg18[%get3A_498, %get3A_499] : memref<5120x256xf32, #tpu.memory_space<vmem>>, vector<272x256xf32>
    %dot_general3A_501 = arith.constant dense<0.000000e+00> : vector<256x256xf32>
    %dot_general3A_502 = tpu.matmul %select_n3A_497, %get3A_500, %dot_general3A_501 {dimension_numbers = #tpu.dot_dimension_numbers<[1], [0], [0], [1], [0, 0, 1, 1], [], []>, transpose_lhs_hint = false} : vector<256x272xf32>, vector<272x256xf32>, vector<256x256xf32> -> vector<256x256xf32>
    %swap3A_503 = arith.constant 6912 : index
    %swap3A_504 = arith.constant 0 : index
    %swap3A_505 = vector.load %arg19[%swap3A_503, %swap3A_504] : memref<8448x256xf32, #tpu.memory_space<vmem>>, vector<256x256xf32>
    tpu.vector_store %arg19[%swap3A_503, %swap3A_504], %dot_general3A_502 {strides = array<i32>} : memref<8448x256xf32, #tpu.memory_space<vmem>>, vector<256x256xf32>,
    %get3A_506 = arith.constant 7168 : index
    %get3A_507 = arith.constant 0 : index
    %get3A_508 = vector.load %arg0[%get3A_506, %get3A_507] : memref<8448x1xi32, #tpu.memory_space<vmem>>, vector<256x1xi32>
    %eq3A_509 = vector.broadcast %get3A_508 : vector<256x1xi32> to vector<256x272xi32>
    %eq3A_510 = arith.cmpi eq, %eq3A_509, %iota3A : vector<256x272xi32>
    %jit3A_511 = arith.constant 1.000000e+00 : f32
    %jit3A_512 = arith.constant 0.000000e+00 : f32
    %broadcast_in_dim3A_513 = vector.broadcast %jit3A_511 : f32 to vector<256x272xf32>
    %broadcast_in_dim3A_514 = vector.broadcast %jit3A_512 : f32 to vector<256x272xf32>
    %select_n3A_515 = arith.select %eq3A_510, %broadcast_in_dim3A_513, %broadcast_in_dim3A_514 : vector<256x272xi1>, vector<256x272xf32>
    %get3A_516 = arith.constant 4720 : index
    %get3A_517 = arith.constant 0 : index
    %get3A_518 = vector.load %arg18[%get3A_516, %get3A_517] : memref<5120x256xf32, #tpu.memory_space<vmem>>, vector<272x256xf32>
    %dot_general3A_519 = arith.constant dense<0.000000e+00> : vector<256x256xf32>
    %dot_general3A_520 = tpu.matmul %select_n3A_515, %get3A_518, %dot_general3A_519 {dimension_numbers = #tpu.dot_dimension_numbers<[1], [0], [0], [1], [0, 0, 1, 1], [], []>, transpose_lhs_hint = false} : vector<256x272xf32>, vector<272x256xf32>, vector<256x256xf32> -> vector<256x256xf32>
    %swap3A_521 = arith.constant 7168 : index
    %swap3A_522 = arith.constant 0 : index
    %swap3A_523 = vector.load %arg19[%swap3A_521, %swap3A_522] : memref<8448x256xf32, #tpu.memory_space<vmem>>, vector<256x256xf32>
    tpu.vector_store %arg19[%swap3A_521, %swap3A_522], %dot_general3A_520 {strides = array<i32>} : memref<8448x256xf32, #tpu.memory_space<vmem>>, vector<256x256xf32>,
    %get3A_524 = arith.constant 7424 : index
    %get3A_525 = arith.constant 0 : index
    %get3A_526 = vector.load %arg0[%get3A_524, %get3A_525] : memref<8448x1xi32, #tpu.memory_space<vmem>>, vector<256x1xi32>
    %eq3A_527 = vector.broadcast %get3A_526 : vector<256x1xi32> to vector<256x272xi32>
    %eq3A_528 = arith.cmpi eq, %eq3A_527, %iota3A : vector<256x272xi32>
    %jit3A_529 = arith.constant 1.000000e+00 : f32
    %jit3A_530 = arith.constant 0.000000e+00 : f32
    %broadcast_in_dim3A_531 = vector.broadcast %jit3A_529 : f32 to vector<256x272xf32>
    %broadcast_in_dim3A_532 = vector.broadcast %jit3A_530 : f32 to vector<256x272xf32>
    %select_n3A_533 = arith.select %eq3A_528, %broadcast_in_dim3A_531, %broadcast_in_dim3A_532 : vector<256x272xi1>, vector<256x272xf32>
    %get3A_534 = arith.constant 4760 : index
    %get3A_535 = arith.constant 0 : index
    %get3A_536 = vector.load %arg18[%get3A_534, %get3A_535] : memref<5120x256xf32, #tpu.memory_space<vmem>>, vector<272x256xf32>
    %dot_general3A_537 = arith.constant dense<0.000000e+00> : vector<256x256xf32>
    %dot_general3A_538 = tpu.matmul %select_n3A_533, %get3A_536, %dot_general3A_537 {dimension_numbers = #tpu.dot_dimension_numbers<[1], [0], [0], [1], [0, 0, 1, 1], [], []>, transpose_lhs_hint = false} : vector<256x272xf32>, vector<272x256xf32>, vector<256x256xf32> -> vector<256x256xf32>
    %swap3A_539 = arith.constant 7424 : index
    %swap3A_540 = arith.constant 0 : index
    %swap3A_541 = vector.load %arg19[%swap3A_539, %swap3A_540] : memref<8448x256xf32, #tpu.memory_space<vmem>>, vector<256x256xf32>
    tpu.vector_store %arg19[%swap3A_539, %swap3A_540], %dot_general3A_538 {strides = array<i32>} : memref<8448x256xf32, #tpu.memory_space<vmem>>, vector<256x256xf32>,
    %get3A_542 = arith.constant 7680 : index
    %get3A_543 = arith.constant 0 : index
    %get3A_544 = vector.load %arg0[%get3A_542, %get3A_543] : memref<8448x1xi32, #tpu.memory_space<vmem>>, vector<256x1xi32>
    %eq3A_545 = vector.broadcast %get3A_544 : vector<256x1xi32> to vector<256x272xi32>
    %eq3A_546 = arith.cmpi eq, %eq3A_545, %iota3A : vector<256x272xi32>
    %jit3A_547 = arith.constant 1.000000e+00 : f32
    %jit3A_548 = arith.constant 0.000000e+00 : f32
    %broadcast_in_dim3A_549 = vector.broadcast %jit3A_547 : f32 to vector<256x272xf32>
    %broadcast_in_dim3A_550 = vector.broadcast %jit3A_548 : f32 to vector<256x272xf32>
    %select_n3A_551 = arith.select %eq3A_546, %broadcast_in_dim3A_549, %broadcast_in_dim3A_550 : vector<256x272xi1>, vector<256x272xf32>
    %get3A_552 = arith.constant 4792 : index
    %get3A_553 = arith.constant 0 : index
    %get3A_554 = vector.load %arg18[%get3A_552, %get3A_553] : memref<5120x256xf32, #tpu.memory_space<vmem>>, vector<272x256xf32>
    %dot_general3A_555 = arith.constant dense<0.000000e+00> : vector<256x256xf32>
    %dot_general3A_556 = tpu.matmul %select_n3A_551, %get3A_554, %dot_general3A_555 {dimension_numbers = #tpu.dot_dimension_numbers<[1], [0], [0], [1], [0, 0, 1, 1], [], []>, transpose_lhs_hint = false} : vector<256x272xf32>, vector<272x256xf32>, vector<256x256xf32> -> vector<256x256xf32>
    %swap3A_557 = arith.constant 7680 : index
    %swap3A_558 = arith.constant 0 : index
    %swap3A_559 = vector.load %arg19[%swap3A_557, %swap3A_558] : memref<8448x256xf32, #tpu.memory_space<vmem>>, vector<256x256xf32>
    tpu.vector_store %arg19[%swap3A_557, %swap3A_558], %dot_general3A_556 {strides = array<i32>} : memref<8448x256xf32, #tpu.memory_space<vmem>>, vector<256x256xf32>,
    %get3A_560 = arith.constant 7936 : index
    %get3A_561 = arith.constant 0 : index
    %get3A_562 = vector.load %arg0[%get3A_560, %get3A_561] : memref<8448x1xi32, #tpu.memory_space<vmem>>, vector<256x1xi32>
    %eq3A_563 = vector.broadcast %get3A_562 : vector<256x1xi32> to vector<256x272xi32>
    %eq3A_564 = arith.cmpi eq, %eq3A_563, %iota3A : vector<256x272xi32>
    %jit3A_565 = arith.constant 1.000000e+00 : f32
    %jit3A_566 = arith.constant 0.000000e+00 : f32
    %broadcast_in_dim3A_567 = vector.broadcast %jit3A_565 : f32 to vector<256x272xf32>
    %broadcast_in_dim3A_568 = vector.broadcast %jit3A_566 : f32 to vector<256x272xf32>
    %select_n3A_569 = arith.select %eq3A_564, %broadcast_in_dim3A_567, %broadcast_in_dim3A_568 : vector<256x272xi1>, vector<256x272xf32>
    %get3A_570 = arith.constant 4816 : index
    %get3A_571 = arith.constant 0 : index
    %get3A_572 = vector.load %arg18[%get3A_570, %get3A_571] : memref<5120x256xf32, #tpu.memory_space<vmem>>, vector<272x256xf32>
    %dot_general3A_573 = arith.constant dense<0.000000e+00> : vector<256x256xf32>
    %dot_general3A_574 = tpu.matmul %select_n3A_569, %get3A_572, %dot_general3A_573 {dimension_numbers = #tpu.dot_dimension_numbers<[1], [0], [0], [1], [0, 0, 1, 1], [], []>, transpose_lhs_hint = false} : vector<256x272xf32>, vector<272x256xf32>, vector<256x256xf32> -> vector<256x256xf32>
    %swap3A_575 = arith.constant 7936 : index
    %swap3A_576 = arith.constant 0 : index
    %swap3A_577 = vector.load %arg19[%swap3A_575, %swap3A_576] : memref<8448x256xf32, #tpu.memory_space<vmem>>, vector<256x256xf32>
    tpu.vector_store %arg19[%swap3A_575, %swap3A_576], %dot_general3A_574 {strides = array<i32>} : memref<8448x256xf32, #tpu.memory_space<vmem>>, vector<256x256xf32>,
    %get3A_578 = arith.constant 8192 : index
    %get3A_579 = arith.constant 0 : index
    %get3A_580 = vector.load %arg0[%get3A_578, %get3A_579] : memref<8448x1xi32, #tpu.memory_space<vmem>>, vector<256x1xi32>
    %eq3A_581 = vector.broadcast %get3A_580 : vector<256x1xi32> to vector<256x272xi32>
    %eq3A_582 = arith.cmpi eq, %eq3A_581, %iota3A : vector<256x272xi32>
    %jit3A_583 = arith.constant 1.000000e+00 : f32
    %jit3A_584 = arith.constant 0.000000e+00 : f32
    %broadcast_in_dim3A_585 = vector.broadcast %jit3A_583 : f32 to vector<256x272xf32>
    %broadcast_in_dim3A_586 = vector.broadcast %jit3A_584 : f32 to vector<256x272xf32>
    %select_n3A_587 = arith.select %eq3A_582, %broadcast_in_dim3A_585, %broadcast_in_dim3A_586 : vector<256x272xi1>, vector<256x272xf32>
    %get3A_588 = arith.constant 4832 : index
    %get3A_589 = arith.constant 0 : index
    %get3A_590 = vector.load %arg18[%get3A_588, %get3A_589] : memref<5120x256xf32, #tpu.memory_space<vmem>>, vector<272x256xf32>
    %dot_general3A_591 = arith.constant dense<0.000000e+00> : vector<256x256xf32>
    %dot_general3A_592 = tpu.matmul %select_n3A_587, %get3A_590, %dot_general3A_591 {dimension_numbers = #tpu.dot_dimension_numbers<[1], [0], [0], [1], [0, 0, 1, 1], [], []>, transpose_lhs_hint = false} : vector<256x272xf32>, vector<272x256xf32>, vector<256x256xf32> -> vector<256x256xf32>
    %swap3A_593 = arith.constant 8192 : index
    %swap3A_594 = arith.constant 0 : index
    %swap3A_595 = vector.load %arg19[%swap3A_593, %swap3A_594] : memref<8448x256xf32, #tpu.memory_space<vmem>>, vector<256x256xf32>
    tpu.vector_store %arg19[%swap3A_593, %swap3A_594], %dot_general3A_592 {strides = array<i32>} : memref<8448x256xf32, #tpu.memory_space<vmem>>, vector<256x256xf32>,
    %get3A_596 = arith.constant 0 : index
    %get3A_597 = arith.constant 0 : index
    %get3A_598 = vector.load %arg19[%get3A_596, %get3A_597] : memref<8448x256xf32, #tpu.memory_space<vmem>>, vector<16x256xf32>
    %tanh3A = math.tanh %get3A_598 : vector<16x256xf32>
    %broadcast_in_dim3A_599 = arith.constant 0.000000e+00 : f32
    %broadcast_in_dim3A_600 = vector.broadcast %broadcast_in_dim3A_599 : f32 to vector<16x256xf32>
    %iota3A_601 = tpu.iota {dimensions = array<i32: 0>} : vector<16x1xi32>
    %mul3A = arith.constant 28 : i32
    %mul3A_602 = vector.broadcast %mul3A : i32 to vector<16x1xi32>
    %mul3A_603 = arith.muli %mul3A_602, %iota3A_601 : vector<16x1xi32>
    %sub3A = arith.constant 512 : i32
    %sub3A_604 = vector.broadcast %sub3A : i32 to vector<16x1xi32>
    %sub3A_605 = arith.subi %sub3A_604, %mul3A_603 : vector<16x1xi32>
    %scan3A_606 = arith.constant 0 : i32
    %scan3A_607 = arith.constant 64 : i32
    %scan3A_608 = arith.addi %scan3A_606, %scan3A_607 : i32
    %scan3A_609 = arith.constant 1 : i32
    %scan3A_610:3 = scf.for %scan3A_633 = %scan3A_606 to %scan3A_608 step %scan3A_609 iter_args(%scan3A_634 = %tanh3A, %scan3A_635 = %broadcast_in_dim3A_600, %scan3A_636 = %broadcast_in_dim3A_600) -> (vector<16x256xf32>, vector<16x256xf32>, vector<16x256xf32>)  : i32 {
      %get3A_637 = arith.constant 0 : index
      %get3A_638 = arith.constant 0 : index
      %get3A_639 = vector.load %arg11[%get3A_637, %get3A_638] : memref<512x512xbf16, #tpu.memory_space<vmem>>, vector<512x512xbf16>
      %get3A_640 = arith.constant 0 : index
      %get3A_641 = arith.constant 0 : index
      %get3A_642 = vector.load %arg12[%get3A_640, %get3A_641] : memref<512x512xbf16, #tpu.memory_space<vmem>>, vector<512x512xbf16>
      %mul3A_643 = arith.constant 8 : i32
      %mul3A_644 = arith.muli %mul3A_643, %scan3A_633 : i32
      %add3A_645 = arith.constant 0 : i32
      %add3A_646 = arith.addi %mul3A_644, %add3A_645 : i32
      %add3A_647 = arith.constant 1 : i32
      %add3A_648 = arith.addi %add3A_646, %add3A_647 : i32
      %concatenate3A = tpu.concatenate %scan3A_634, %scan3A_635 in 1 : vector<16x256xf32>, vector<16x256xf32> -> vector<16x512xf32>
      %convert_element_type3A = arith.truncf %concatenate3A : vector<16x512xf32> to vector<16x512xbf16>
      %dot_general3A_649 = arith.constant dense<0.000000e+00> : vector<16x512xf32>
      %dot_general3A_650 = tpu.matmul %convert_element_type3A, %get3A_639, %dot_general3A_649 {dimension_numbers = #tpu.dot_dimension_numbers<[1], [0], [0], [1], [0, 0, 1, 1], [], []>, transpose_lhs_hint = false} : vector<16x512xbf16>, vector<512x512xbf16>, vector<16x512xf32> -> vector<16x512xf32>
      %slice3A = vector.extract_strided_slice %dot_general3A_650 {offsets = [0, 256], sizes = [16, 256], strides = [1, 1]} : vector<16x512xf32> to vector<16x256xf32>
      %get3A_651 = arith.constant 0 : index
      %get3A_652 = arith.constant 0 : index
      %get3A_653 = vector.load %arg13[%get3A_651, %get3A_652] : memref<1x256xf32, #tpu.memory_space<vmem>>, vector<1x256xf32>
      %add3A_654 = vector.broadcast %get3A_653 : vector<1x256xf32> to vector<16x256xf32>
      %add3A_655 = arith.addf %slice3A, %add3A_654 : vector<16x256xf32>
      %tanh3A_656 = math.tanh %add3A_655 : vector<16x256xf32>
      %mul3A_657 = arith.constant 16 : i32
      %mul3A_658 = arith.muli %mul3A_657, %add3A_648 : i32
      %multiple_of3A = tpu.assume_multiple %mul3A_658, 16 : i32
      %slice3A_659 = vector.extract_strided_slice %dot_general3A_650 {offsets = [0, 0], sizes = [16, 256], strides = [1, 1]} : vector<16x512xf32> to vector<16x256xf32>
      %get3A_660 = arith.index_cast %multiple_of3A : i32 to index
      %get3A_661 = arith.constant 0 : index
      %get3A_662 = vector.load %arg19[%get3A_660, %get3A_661] : memref<8448x256xf32, #tpu.memory_space<vmem>>, vector<16x256xf32>
      %add3A_663 = arith.addf %slice3A_659, %get3A_662 : vector<16x256xf32>
      %tanh3A_664 = math.tanh %add3A_663 : vector<16x256xf32>
      %add3A_665 = arith.constant 0 : i32
      %add3A_666 = arith.addi %mul3A_644, %add3A_665 : i32
      %add3A_667 = arith.constant 2 : i32
      %add3A_668 = arith.addi %add3A_666, %add3A_667 : i32
      %concatenate3A_669 = tpu.concatenate %tanh3A_664, %tanh3A_656 in 1 : vector<16x256xf32>, vector<16x256xf32> -> vector<16x512xf32>
      %convert_element_type3A_670 = arith.truncf %concatenate3A_669 : vector<16x512xf32> to vector<16x512xbf16>
      %dot_general3A_671 = arith.constant dense<0.000000e+00> : vector<16x512xf32>
      %dot_general3A_672 = tpu.matmul %convert_element_type3A_670, %get3A_642, %dot_general3A_671 {dimension_numbers = #tpu.dot_dimension_numbers<[1], [0], [0], [1], [0, 0, 1, 1], [], []>, transpose_lhs_hint = false} : vector<16x512xbf16>, vector<512x512xbf16>, vector<16x512xf32> -> vector<16x512xf32>
      %slice3A_673 = vector.extract_strided_slice %dot_general3A_672 {offsets = [0, 256], sizes = [16, 256], strides = [1, 1]} : vector<16x512xf32> to vector<16x256xf32>
      %get3A_674 = arith.constant 0 : index
      %get3A_675 = arith.constant 0 : index
      %get3A_676 = vector.load %arg14[%get3A_674, %get3A_675] : memref<1x256xf32, #tpu.memory_space<vmem>>, vector<1x256xf32>
      %add3A_677 = vector.broadcast %get3A_676 : vector<1x256xf32> to vector<16x256xf32>
      %add3A_678 = arith.addf %slice3A_673, %add3A_677 : vector<16x256xf32>
      %tanh3A_679 = math.tanh %add3A_678 : vector<16x256xf32>
      %mul3A_680 = arith.constant 16 : i32
      %mul3A_681 = arith.muli %mul3A_680, %add3A_668 : i32
      %multiple_of3A_682 = tpu.assume_multiple %mul3A_681, 16 : i32
      %slice3A_683 = vector.extract_strided_slice %dot_general3A_672 {offsets = [0, 0], sizes = [16, 256], strides = [1, 1]} : vector<16x512xf32> to vector<16x256xf32>
      %get3A_684 = arith.index_cast %multiple_of3A_682 : i32 to index
      %get3A_685 = arith.constant 0 : index
      %get3A_686 = vector.load %arg19[%get3A_684, %get3A_685] : memref<8448x256xf32, #tpu.memory_space<vmem>>, vector<16x256xf32>
      %add3A_687 = arith.addf %slice3A_683, %get3A_686 : vector<16x256xf32>
      %tanh3A_688 = math.tanh %add3A_687 : vector<16x256xf32>
      %add3A_689 = arith.constant 0 : i32
      %add3A_690 = arith.addi %mul3A_644, %add3A_689 : i32
      %add3A_691 = arith.constant 2 : i32
      %add3A_692 = arith.addi %add3A_690, %add3A_691 : i32
      %eq3A_693 = vector.broadcast %add3A_692 : i32 to vector<16x1xi32>
      %eq3A_694 = arith.cmpi eq, %sub3A_605, %eq3A_693 : vector<16x1xi32>
      %broadcast_in_dim3A_695 = vector.shape_cast %eq3A_694 : vector<16x1xi1> to vector<16x1xi1>
      %broadcast_in_dim3A_696 = vector.broadcast %broadcast_in_dim3A_695 : vector<16x1xi1> to vector<16x256xi1>
      %select_n3A_697 = arith.select %broadcast_in_dim3A_696, %tanh3A_679, %scan3A_636 : vector<16x256xi1>, vector<16x256xf32>
      %add3A_698 = arith.constant 2 : i32
      %add3A_699 = arith.addi %mul3A_644, %add3A_698 : i32
      %add3A_700 = arith.constant 1 : i32
      %add3A_701 = arith.addi %add3A_699, %add3A_700 : i32
      %concatenate3A_702 = tpu.concatenate %tanh3A_688, %tanh3A_679 in 1 : vector<16x256xf32>, vector<16x256xf32> -> vector<16x512xf32>
      %convert_element_type3A_703 = arith.truncf %concatenate3A_702 : vector<16x512xf32> to vector<16x512xbf16>
      %dot_general3A_704 = arith.constant dense<0.000000e+00> : vector<16x512xf32>
      %dot_general3A_705 = tpu.matmul %convert_element_type3A_703, %get3A_639, %dot_general3A_704 {dimension_numbers = #tpu.dot_dimension_numbers<[1], [0], [0], [1], [0, 0, 1, 1], [], []>, transpose_lhs_hint = false} : vector<16x512xbf16>, vector<512x512xbf16>, vector<16x512xf32> -> vector<16x512xf32>
      %slice3A_706 = vector.extract_strided_slice %dot_general3A_705 {offsets = [0, 256], sizes = [16, 256], strides = [1, 1]} : vector<16x512xf32> to vector<16x256xf32>
      %get3A_707 = arith.constant 0 : index
      %get3A_708 = arith.constant 0 : index
      %get3A_709 = vector.load %arg13[%get3A_707, %get3A_708] : memref<1x256xf32, #tpu.memory_space<vmem>>, vector<1x256xf32>
      %add3A_710 = vector.broadcast %get3A_709 : vector<1x256xf32> to vector<16x256xf32>
      %add3A_711 = arith.addf %slice3A_706, %add3A_710 : vector<16x256xf32>
      %tanh3A_712 = math.tanh %add3A_711 : vector<16x256xf32>
      %mul3A_713 = arith.constant 16 : i32
      %mul3A_714 = arith.muli %mul3A_713, %add3A_701 : i32
      %multiple_of3A_715 = tpu.assume_multiple %mul3A_714, 16 : i32
      %slice3A_716 = vector.extract_strided_slice %dot_general3A_705 {offsets = [0, 0], sizes = [16, 256], strides = [1, 1]} : vector<16x512xf32> to vector<16x256xf32>
      %get3A_717 = arith.index_cast %multiple_of3A_715 : i32 to index
      %get3A_718 = arith.constant 0 : index
      %get3A_719 = vector.load %arg19[%get3A_717, %get3A_718] : memref<8448x256xf32, #tpu.memory_space<vmem>>, vector<16x256xf32>
      %add3A_720 = arith.addf %slice3A_716, %get3A_719 : vector<16x256xf32>
      %tanh3A_721 = math.tanh %add3A_720 : vector<16x256xf32>
      %add3A_722 = arith.constant 2 : i32
      %add3A_723 = arith.addi %mul3A_644, %add3A_722 : i32
      %add3A_724 = arith.constant 2 : i32
      %add3A_725 = arith.addi %add3A_723, %add3A_724 : i32
      %concatenate3A_726 = tpu.concatenate %tanh3A_721, %tanh3A_712 in 1 : vector<16x256xf32>, vector<16x256xf32> -> vector<16x512xf32>
      %convert_element_type3A_727 = arith.truncf %concatenate3A_726 : vector<16x512xf32> to vector<16x512xbf16>
      %dot_general3A_728 = arith.constant dense<0.000000e+00> : vector<16x512xf32>
      %dot_general3A_729 = tpu.matmul %convert_element_type3A_727, %get3A_642, %dot_general3A_728 {dimension_numbers = #tpu.dot_dimension_numbers<[1], [0], [0], [1], [0, 0, 1, 1], [], []>, transpose_lhs_hint = false} : vector<16x512xbf16>, vector<512x512xbf16>, vector<16x512xf32> -> vector<16x512xf32>
      %slice3A_730 = vector.extract_strided_slice %dot_general3A_729 {offsets = [0, 256], sizes = [16, 256], strides = [1, 1]} : vector<16x512xf32> to vector<16x256xf32>
      %get3A_731 = arith.constant 0 : index
      %get3A_732 = arith.constant 0 : index
      %get3A_733 = vector.load %arg14[%get3A_731, %get3A_732] : memref<1x256xf32, #tpu.memory_space<vmem>>, vector<1x256xf32>
      %add3A_734 = vector.broadcast %get3A_733 : vector<1x256xf32> to vector<16x256xf32>
      %add3A_735 = arith.addf %slice3A_730, %add3A_734 : vector<16x256xf32>
      %tanh3A_736 = math.tanh %add3A_735 : vector<16x256xf32>
      %mul3A_737 = arith.constant 16 : i32
      %mul3A_738 = arith.muli %mul3A_737, %add3A_725 : i32
      %multiple_of3A_739 = tpu.assume_multiple %mul3A_738, 16 : i32
      %slice3A_740 = vector.extract_strided_slice %dot_general3A_729 {offsets = [0, 0], sizes = [16, 256], strides = [1, 1]} : vector<16x512xf32> to vector<16x256xf32>
      %get3A_741 = arith.index_cast %multiple_of3A_739 : i32 to index
      %get3A_742 = arith.constant 0 : index
      %get3A_743 = vector.load %arg19[%get3A_741, %get3A_742] : memref<8448x256xf32, #tpu.memory_space<vmem>>, vector<16x256xf32>
      %add3A_744 = arith.addf %slice3A_740, %get3A_743 : vector<16x256xf32>
      %tanh3A_745 = math.tanh %add3A_744 : vector<16x256xf32>
      %add3A_746 = arith.constant 2 : i32
      %add3A_747 = arith.addi %mul3A_644, %add3A_746 : i32
      %add3A_748 = arith.constant 2 : i32
      %add3A_749 = arith.addi %add3A_747, %add3A_748 : i32
      %eq3A_750 = vector.broadcast %add3A_749 : i32 to vector<16x1xi32>
      %eq3A_751 = arith.cmpi eq, %sub3A_605, %eq3A_750 : vector<16x1xi32>
      %broadcast_in_dim3A_752 = vector.shape_cast %eq3A_751 : vector<16x1xi1> to vector<16x1xi1>
      %broadcast_in_dim3A_753 = vector.broadcast %broadcast_in_dim3A_752 : vector<16x1xi1> to vector<16x256xi1>
      %select_n3A_754 = arith.select %broadcast_in_dim3A_753, %tanh3A_736, %select_n3A_697 : vector<16x256xi1>, vector<16x256xf32>
      %add3A_755 = arith.constant 4 : i32
      %add3A_756 = arith.addi %mul3A_644, %add3A_755 : i32
      %add3A_757 = arith.constant 1 : i32
      %add3A_758 = arith.addi %add3A_756, %add3A_757 : i32
      %concatenate3A_759 = tpu.concatenate %tanh3A_745, %tanh3A_736 in 1 : vector<16x256xf32>, vector<16x256xf32> -> vector<16x512xf32>
      %convert_element_type3A_760 = arith.truncf %concatenate3A_759 : vector<16x512xf32> to vector<16x512xbf16>
      %dot_general3A_761 = arith.constant dense<0.000000e+00> : vector<16x512xf32>
      %dot_general3A_762 = tpu.matmul %convert_element_type3A_760, %get3A_639, %dot_general3A_761 {dimension_numbers = #tpu.dot_dimension_numbers<[1], [0], [0], [1], [0, 0, 1, 1], [], []>, transpose_lhs_hint = false} : vector<16x512xbf16>, vector<512x512xbf16>, vector<16x512xf32> -> vector<16x512xf32>
      %slice3A_763 = vector.extract_strided_slice %dot_general3A_762 {offsets = [0, 256], sizes = [16, 256], strides = [1, 1]} : vector<16x512xf32> to vector<16x256xf32>
      %get3A_764 = arith.constant 0 : index
      %get3A_765 = arith.constant 0 : index
      %get3A_766 = vector.load %arg13[%get3A_764, %get3A_765] : memref<1x256xf32, #tpu.memory_space<vmem>>, vector<1x256xf32>
      %add3A_767 = vector.broadcast %get3A_766 : vector<1x256xf32> to vector<16x256xf32>
      %add3A_768 = arith.addf %slice3A_763, %add3A_767 : vector<16x256xf32>
      %tanh3A_769 = math.tanh %add3A_768 : vector<16x256xf32>
      %mul3A_770 = arith.constant 16 : i32
      %mul3A_771 = arith.muli %mul3A_770, %add3A_758 : i32
      %multiple_of3A_772 = tpu.assume_multiple %mul3A_771, 16 : i32
      %slice3A_773 = vector.extract_strided_slice %dot_general3A_762 {offsets = [0, 0], sizes = [16, 256], strides = [1, 1]} : vector<16x512xf32> to vector<16x256xf32>
      %get3A_774 = arith.index_cast %multiple_of3A_772 : i32 to index
      %get3A_775 = arith.constant 0 : index
      %get3A_776 = vector.load %arg19[%get3A_774, %get3A_775] : memref<8448x256xf32, #tpu.memory_space<vmem>>, vector<16x256xf32>
      %add3A_777 = arith.addf %slice3A_773, %get3A_776 : vector<16x256xf32>
      %tanh3A_778 = math.tanh %add3A_777 : vector<16x256xf32>
      %add3A_779 = arith.constant 4 : i32
      %add3A_780 = arith.addi %mul3A_644, %add3A_779 : i32
      %add3A_781 = arith.constant 2 : i32
      %add3A_782 = arith.addi %add3A_780, %add3A_781 : i32
      %concatenate3A_783 = tpu.concatenate %tanh3A_778, %tanh3A_769 in 1 : vector<16x256xf32>, vector<16x256xf32> -> vector<16x512xf32>
      %convert_element_type3A_784 = arith.truncf %concatenate3A_783 : vector<16x512xf32> to vector<16x512xbf16>
      %dot_general3A_785 = arith.constant dense<0.000000e+00> : vector<16x512xf32>
      %dot_general3A_786 = tpu.matmul %convert_element_type3A_784, %get3A_642, %dot_general3A_785 {dimension_numbers = #tpu.dot_dimension_numbers<[1], [0], [0], [1], [0, 0, 1, 1], [], []>, transpose_lhs_hint = false} : vector<16x512xbf16>, vector<512x512xbf16>, vector<16x512xf32> -> vector<16x512xf32>
      %slice3A_787 = vector.extract_strided_slice %dot_general3A_786 {offsets = [0, 256], sizes = [16, 256], strides = [1, 1]} : vector<16x512xf32> to vector<16x256xf32>
      %get3A_788 = arith.constant 0 : index
      %get3A_789 = arith.constant 0 : index
      %get3A_790 = vector.load %arg14[%get3A_788, %get3A_789] : memref<1x256xf32, #tpu.memory_space<vmem>>, vector<1x256xf32>
      %add3A_791 = vector.broadcast %get3A_790 : vector<1x256xf32> to vector<16x256xf32>
      %add3A_792 = arith.addf %slice3A_787, %add3A_791 : vector<16x256xf32>
      %tanh3A_793 = math.tanh %add3A_792 : vector<16x256xf32>
      %mul3A_794 = arith.constant 16 : i32
      %mul3A_795 = arith.muli %mul3A_794, %add3A_782 : i32
      %multiple_of3A_796 = tpu.assume_multiple %mul3A_795, 16 : i32
      %slice3A_797 = vector.extract_strided_slice %dot_general3A_786 {offsets = [0, 0], sizes = [16, 256], strides = [1, 1]} : vector<16x512xf32> to vector<16x256xf32>
      %get3A_798 = arith.index_cast %multiple_of3A_796 : i32 to index
      %get3A_799 = arith.constant 0 : index
      %get3A_800 = vector.load %arg19[%get3A_798, %get3A_799] : memref<8448x256xf32, #tpu.memory_space<vmem>>, vector<16x256xf32>
      %add3A_801 = arith.addf %slice3A_797, %get3A_800 : vector<16x256xf32>
      %tanh3A_802 = math.tanh %add3A_801 : vector<16x256xf32>
      %add3A_803 = arith.constant 4 : i32
      %add3A_804 = arith.addi %mul3A_644, %add3A_803 : i32
      %add3A_805 = arith.constant 2 : i32
      %add3A_806 = arith.addi %add3A_804, %add3A_805 : i32
      %eq3A_807 = vector.broadcast %add3A_806 : i32 to vector<16x1xi32>
      %eq3A_808 = arith.cmpi eq, %sub3A_605, %eq3A_807 : vector<16x1xi32>
      %broadcast_in_dim3A_809 = vector.shape_cast %eq3A_808 : vector<16x1xi1> to vector<16x1xi1>
      %broadcast_in_dim3A_810 = vector.broadcast %broadcast_in_dim3A_809 : vector<16x1xi1> to vector<16x256xi1>
      %select_n3A_811 = arith.select %broadcast_in_dim3A_810, %tanh3A_793, %select_n3A_754 : vector<16x256xi1>, vector<16x256xf32>
      %add3A_812 = arith.constant 6 : i32
      %add3A_813 = arith.addi %mul3A_644, %add3A_812 : i32
      %add3A_814 = arith.constant 1 : i32
      %add3A_815 = arith.addi %add3A_813, %add3A_814 : i32
      %concatenate3A_816 = tpu.concatenate %tanh3A_802, %tanh3A_793 in 1 : vector<16x256xf32>, vector<16x256xf32> -> vector<16x512xf32>
      %convert_element_type3A_817 = arith.truncf %concatenate3A_816 : vector<16x512xf32> to vector<16x512xbf16>
      %dot_general3A_818 = arith.constant dense<0.000000e+00> : vector<16x512xf32>
      %dot_general3A_819 = tpu.matmul %convert_element_type3A_817, %get3A_639, %dot_general3A_818 {dimension_numbers = #tpu.dot_dimension_numbers<[1], [0], [0], [1], [0, 0, 1, 1], [], []>, transpose_lhs_hint = false} : vector<16x512xbf16>, vector<512x512xbf16>, vector<16x512xf32> -> vector<16x512xf32>
      %slice3A_820 = vector.extract_strided_slice %dot_general3A_819 {offsets = [0, 256], sizes = [16, 256], strides = [1, 1]} : vector<16x512xf32> to vector<16x256xf32>
      %get3A_821 = arith.constant 0 : index
      %get3A_822 = arith.constant 0 : index
      %get3A_823 = vector.load %arg13[%get3A_821, %get3A_822] : memref<1x256xf32, #tpu.memory_space<vmem>>, vector<1x256xf32>
      %add3A_824 = vector.broadcast %get3A_823 : vector<1x256xf32> to vector<16x256xf32>
      %add3A_825 = arith.addf %slice3A_820, %add3A_824 : vector<16x256xf32>
      %tanh3A_826 = math.tanh %add3A_825 : vector<16x256xf32>
      %mul3A_827 = arith.constant 16 : i32
      %mul3A_828 = arith.muli %mul3A_827, %add3A_815 : i32
      %multiple_of3A_829 = tpu.assume_multiple %mul3A_828, 16 : i32
      %slice3A_830 = vector.extract_strided_slice %dot_general3A_819 {offsets = [0, 0], sizes = [16, 256], strides = [1, 1]} : vector<16x512xf32> to vector<16x256xf32>
      %get3A_831 = arith.index_cast %multiple_of3A_829 : i32 to index
      %get3A_832 = arith.constant 0 : index
      %get3A_833 = vector.load %arg19[%get3A_831, %get3A_832] : memref<8448x256xf32, #tpu.memory_space<vmem>>, vector<16x256xf32>
      %add3A_834 = arith.addf %slice3A_830, %get3A_833 : vector<16x256xf32>
      %tanh3A_835 = math.tanh %add3A_834 : vector<16x256xf32>
      %add3A_836 = arith.constant 6 : i32
      %add3A_837 = arith.addi %mul3A_644, %add3A_836 : i32
      %add3A_838 = arith.constant 2 : i32
      %add3A_839 = arith.addi %add3A_837, %add3A_838 : i32
      %concatenate3A_840 = tpu.concatenate %tanh3A_835, %tanh3A_826 in 1 : vector<16x256xf32>, vector<16x256xf32> -> vector<16x512xf32>
      %convert_element_type3A_841 = arith.truncf %concatenate3A_840 : vector<16x512xf32> to vector<16x512xbf16>
      %dot_general3A_842 = arith.constant dense<0.000000e+00> : vector<16x512xf32>
      %dot_general3A_843 = tpu.matmul %convert_element_type3A_841, %get3A_642, %dot_general3A_842 {dimension_numbers = #tpu.dot_dimension_numbers<[1], [0], [0], [1], [0, 0, 1, 1], [], []>, transpose_lhs_hint = false} : vector<16x512xbf16>, vector<512x512xbf16>, vector<16x512xf32> -> vector<16x512xf32>
      %slice3A_844 = vector.extract_strided_slice %dot_general3A_843 {offsets = [0, 256], sizes = [16, 256], strides = [1, 1]} : vector<16x512xf32> to vector<16x256xf32>
      %get3A_845 = arith.constant 0 : index
      %get3A_846 = arith.constant 0 : index
      %get3A_847 = vector.load %arg14[%get3A_845, %get3A_846] : memref<1x256xf32, #tpu.memory_space<vmem>>, vector<1x256xf32>
      %add3A_848 = vector.broadcast %get3A_847 : vector<1x256xf32> to vector<16x256xf32>
      %add3A_849 = arith.addf %slice3A_844, %add3A_848 : vector<16x256xf32>
      %tanh3A_850 = math.tanh %add3A_849 : vector<16x256xf32>
      %mul3A_851 = arith.constant 16 : i32
      %mul3A_852 = arith.muli %mul3A_851, %add3A_839 : i32
      %multiple_of3A_853 = tpu.assume_multiple %mul3A_852, 16 : i32
      %slice3A_854 = vector.extract_strided_slice %dot_general3A_843 {offsets = [0, 0], sizes = [16, 256], strides = [1, 1]} : vector<16x512xf32> to vector<16x256xf32>
      %get3A_855 = arith.index_cast %multiple_of3A_853 : i32 to index
      %get3A_856 = arith.constant 0 : index
      %get3A_857 = vector.load %arg19[%get3A_855, %get3A_856] : memref<8448x256xf32, #tpu.memory_space<vmem>>, vector<16x256xf32>
      %add3A_858 = arith.addf %slice3A_854, %get3A_857 : vector<16x256xf32>
      %tanh3A_859 = math.tanh %add3A_858 : vector<16x256xf32>
      %add3A_860 = arith.constant 6 : i32
      %add3A_861 = arith.addi %mul3A_644, %add3A_860 : i32
      %add3A_862 = arith.constant 2 : i32
      %add3A_863 = arith.addi %add3A_861, %add3A_862 : i32
      %eq3A_864 = vector.broadcast %add3A_863 : i32 to vector<16x1xi32>
      %eq3A_865 = arith.cmpi eq, %sub3A_605, %eq3A_864 : vector<16x1xi32>
      %broadcast_in_dim3A_866 = vector.shape_cast %eq3A_865 : vector<16x1xi1> to vector<16x1xi1>
      %broadcast_in_dim3A_867 = vector.broadcast %broadcast_in_dim3A_866 : vector<16x1xi1> to vector<16x256xi1>
      %select_n3A_868 = arith.select %broadcast_in_dim3A_867, %tanh3A_850, %select_n3A_811 : vector<16x256xi1>, vector<16x256xf32>
      scf.yield %tanh3A_859, %tanh3A_850, %select_n3A_868 : vector<16x256xf32>, vector<16x256xf32>, vector<16x256xf32>
    }
    %scan3A_611 = arith.constant 64 : i32
    %get3A_612 = arith.constant 0 : index
    %get3A_613 = arith.constant 0 : index
    %get3A_614 = vector.load %arg15[%get3A_612, %get3A_613] : memref<1x256xf32, #tpu.memory_space<vmem>>, vector<1x256xf32>
    %mul3A_615 = vector.broadcast %get3A_614 : vector<1x256xf32> to vector<16x256xf32>
    %mul3A_616 = arith.mulf %scan3A_610#2, %mul3A_615 : vector<16x256xf32>
    %reduce_sum3A = arith.constant dense<0.000000e+00> : vector<16xf32>
    %reduce_sum3A_617 = vector.multi_reduction <add>, %mul3A_616, %reduce_sum3A [1] : vector<16x256xf32> to vector<16xf32>
    %broadcast_in_dim3A_618 = vector.shape_cast %reduce_sum3A_617 : vector<16xf32> to vector<16x1xf32>
    %get3A_619 = arith.constant 0 : index
    %get3A_620 = arith.constant 0 : index
    %get3A_621 = vector.load %arg16[%get3A_619, %get3A_620] : memref<1x1xf32, #tpu.memory_space<vmem>>, vector<1x1xf32>
    %add3A = vector.broadcast %get3A_621 : vector<1x1xf32> to vector<16x1xf32>
    %add3A_622 = arith.addf %broadcast_in_dim3A_618, %add3A : vector<16x1xf32>
    %neg3A = arith.constant 0.000000e+00 : f32
    %neg3A_623 = vector.broadcast %neg3A : f32 to vector<16x1xf32>
    %neg3A_624 = arith.subf %neg3A_623, %add3A_622 : vector<16x1xf32>
    %exp3A = math.exp %neg3A_624 : vector<16x1xf32>
    %add3A_625 = arith.constant 1.000000e+00 : f32
    %add3A_626 = vector.broadcast %add3A_625 : f32 to vector<16x1xf32>
    %add3A_627 = arith.addf %add3A_626, %exp3A : vector<16x1xf32>
    %div3A = arith.constant 1.000000e+00 : f32
    %div3A_628 = vector.broadcast %div3A : f32 to vector<16x1xf32>
    %div3A_629 = arith.divf %div3A_628, %add3A_627 : vector<16x1xf32>
    %swap3A_630 = arith.constant 0 : index
    %swap3A_631 = arith.constant 0 : index
    %swap3A_632 = vector.load %arg17[%swap3A_630, %swap3A_631] : memref<16x1xf32, #tpu.memory_space<vmem>>, vector<16x1xf32>
    tpu.vector_store %arg17[%swap3A_630, %swap3A_631], %div3A_629 {strides = array<i32>} : memref<16x1xf32, #tpu.memory_space<vmem>>, vector<16x1xf32>,
    return
  }
}

</mosaic_0001>

<sc_bundles>
// kernel: kernel.4.cloned.1.call-start
scs
__scs_entry_jumppad:
0x0: {  	(pc) =	sbr.rel $0x88, $3  }
0x1: {  	(tag) =	ssettag $0x0;
	lr =	simm.s32 $0x1  }
0x2: {  	[smem:$0x3F92] =	sst lr;
	_ =	strace $0xD0000000  }
0x3: {  	_ = 	snop  }
0x4: {  	_ = 	snop  }
0x5: {  	_ = 	snop  }
0x6: {  	_ = 	snop  }
0x7: {  	_ = 	snop  }
__scs_overlays_trampoline_lowered:
0x8: {  	[smem:$0x3FA1] =	sst s0  }
0x9: {  	[smem:$0x3FA2] =	sst s1  }
0xa: {  	[smem:$0x3FA3] =	sst s2  }
0xb: {  	[smem:$0x3FA4] =	sst s3  }
0xc: {  	[smem:$0x3FA5] =	sst s4  }
0xd: {  	[smem:$0x3FA6] =	sst s5  }
0xe: {  	[smem:$0x3FA7] =	sst s6  }
0xf: {  	[smem:$0x3FA8] =	sst s7  }
0x10: {  	[smem:$0x3FA9] =	sst s8  }
0x11: {  	[smem:$0x3FAA] =	sst s9;
	s0 =	simm.s32 @!p0 $0x0  }
0x12: {  	s1 =	sld [smem:$0x3F90];
	s0 =	simm.s32 @p0 $0x1  }
0x13: {  	[smem:$0x3FAB] =	sst s0;
	s0 =	simm.s32 @!p1 $0x0  }
0x14: {  	s2 =	sld [smem:$0x3F8F];
	s0 =	simm.s32 @p1 $0x1  }
0x15: {  	[smem:$0x3FAC] =	sst s0;
	s0 =	simm.s32 @!p2 $0x0  }
0x16: {  	s3 =	sld [smem:$0x3FDB];
	s0 =	simm.s32 @p2 $0x1  }
0x17: {  	s4 =	simm.s32 $0x1BF5;
	[smem:$0x3FAE] =	sst s0  }
0x18: {  	s0 =	sld [smem:$0x3F91];
	_ =	swait.ge [sflag:s4], $0x0  }
0x19: {  	s7 =	sld [smem:$0x3F92]  }
0x1a: {  	s8 =	sadd.s32 $0xFFFFE003, lr  }
0x1b: {  	s9 =	sadd.s32 $0xFFFFFEF7, lr;
	s5 =	simm.s32 $0xFFFFFFFF;
	p2 =	slt.u32 s8, $0xFFFFF086  }
0x1c: {  	p1 =	slt.u32 s9, $0xF7A;
	s5 =	simm.s32 @!p2 $0x0  }
0x1d: {  	s5 =	simm.s32 @p1 $0x1;
	p0 =	seq.s32 s7, s2  }
0x1e: {  	s7 =	smul.u32 @!p0 $0xF7A, s2;
	p2 =	seq.s32 @!p0 s5, $0x0  }
0x1f: {  	s9 =	smul.u32 $0xF7A, s1;
	s8 =	simm.s32 @!p0 $0x1BF5;
	p2 =	por !p2, p0  }
0x20: {  	[sflag:s8] =	ssyncset.s32 @!p0 $0xFFFFF086;
	s6 =	sadd.s32 @!p0 s3, s7;
	s7 =	simm.s32 @!p0 $0x108  }
0x21: {  	s3 =	sadd.s32 s3, s9;
	s6 =	sadd.s32 @!p0 $0x88, s6;
	s7 =	simm.s32 @p2 $0x1082  }
0x22: {  	[simem:s7], [sflag:s8] =	dma.local @!p0 [hbm:s6], $0xF7A  }
0x23: {  	s9 =	sor.u32 $0xD0000000, s2;
	s6 =	simm.s32 $0x108;
	_ =	swait.ge @!p0 [sflag:s8], $0x0  }
0x24: {  	s3 =	sadd.s32 $0x88, s3;
	s6 =	simm.s32 @!p1 $0x1082;
	[sflag:s4] =	ssyncset.s32 $0xFFFFF086  }
0x25: {  	[simem:s6], [sflag:s4] =	dma.local [hbm:s3], $0xF7A  }
0x26: {  	[smem:$0x3F92] =	sst s1;
	(tag) =	ssettag s2;
	_ =	strace s9  }
0x27: {  	s1 =	sld [smem:$0x3FA2]  }
0x28: {  	s2 =	sld [smem:$0x3FA3]  }
0x29: {  	s4 =	sld [smem:$0x3FA5]  }
0x2a: {  	p0 =	seq.s32 s5, $0x0;
	s5 =	sld [smem:$0x3FA6]  }
0x2b: {  	s6 =	sld [smem:$0x3FA7]  }
0x2c: {  	s7 =	sld [smem:$0x3FA8]  }
0x2d: {  	s3 =	simm.s32 $0x108;
	s8 =	sld [smem:$0x3FA9]  }
0x2e: {  	s3 =	simm.s32 @!p0 $0x1082;
	s9 =	sld [smem:$0x3FAA]  }
0x2f: {  	lr =	sadd.s32 s0, s3;
	s0 =	sld [smem:$0x3FA1]  }
0x30: {  	s3 =	sld [smem:$0x3FA4]  }
0x31: {  	[smem:$0x3FAD] =	sst s10  }
0x32: {  	s10 =	sld [smem:$0x3FAB];
	_ =	sdelay $0x3  }
0x33: {  	p0 =	seq.s32 s10, $0x1;
	s10 =	sld [smem:$0x3FAD];
	_ =	sdelay $0x3  }
0x34: {  	[smem:$0x3FAD] =	sst s10  }
0x35: {  	s10 =	sld [smem:$0x3FAC];
	_ =	sdelay $0x3  }
0x36: {  	p1 =	seq.s32 s10, $0x1;
	s10 =	sld [smem:$0x3FAD];
	_ =	sdelay $0x3  }
0x37: {  	[smem:$0x3FAD] =	sst s10  }
0x38: {  	s10 =	sld [smem:$0x3FAE]  }
0x39: {  	_ = 	snop;
	(pc) =	sbr.ind lr, $3  }
0x3a: {  	_ = 	snop  }
0x3b: {  	_ = 	snop  }
0x3c: {  	p2 =	seq.s32 s10, $0x1;
	s10 =	sld [smem:$0x3FAD]  }
0x3d: {  	_ =	shalt  }
0x3e: {  	_ =	shalt  }
0x3f: {  	_ =	shalt  }
0x40: {  	_ =	shalt  }
0x41: {  	_ =	shalt  }
0x42: {  	_ =	shalt  }
0x43: {  	_ =	shalt  }
0x44: {  	_ =	shalt  }
0x45: {  	_ =	shalt  }
0x46: {  	_ =	shalt  }
0x47: {  	_ =	shalt  }
0x48: {  	_ =	shalt  }
0x49: {  	_ =	shalt  }
0x4a: {  	_ =	shalt  }
0x4b: {  	_ =	shalt  }
0x4c: {  	_ =	shalt  }
0x4d: {  	_ =	shalt  }
0x4e: {  	_ =	shalt  }
0x4f: {  	_ =	shalt  }
0x50: {  	_ =	shalt  }
0x51: {  	_ =	shalt  }
0x52: {  	_ =	shalt  }
0x53: {  	_ =	shalt  }
0x54: {  	_ =	shalt  }
0x55: {  	_ =	shalt  }
0x56: {  	_ =	shalt  }
0x57: {  	_ =	shalt  }
0x58: {  	_ =	shalt  }
0x59: {  	_ =	shalt  }
0x5a: {  	_ =	shalt  }
0x5b: {  	_ =	shalt  }
0x5c: {  	_ =	shalt  }
0x5d: {  	_ =	shalt  }
0x5e: {  	_ =	shalt  }
0x5f: {  	_ =	shalt  }
0x60: {  	_ =	shalt  }
0x61: {  	_ =	shalt  }
0x62: {  	_ =	shalt  }
0x63: {  	_ =	shalt  }
0x64: {  	_ =	shalt  }
0x65: {  	_ =	shalt  }
0x66: {  	_ =	shalt  }
0x67: {  	_ =	shalt  }
0x68: {  	_ =	shalt  }
0x69: {  	_ =	shalt  }
0x6a: {  	_ =	shalt  }
0x6b: {  	_ =	shalt  }
0x6c: {  	_ =	shalt  }
0x6d: {  	_ =	shalt  }
0x6e: {  	_ =	shalt  }
0x6f: {  	_ =	shalt  }
0x70: {  	_ =	shalt  }
0x71: {  	_ =	shalt  }
0x72: {  	_ =	shalt  }
0x73: {  	_ =	shalt  }
0x74: {  	_ =	shalt  }
0x75: {  	_ =	shalt  }
0x76: {  	_ =	shalt  }
0x77: {  	_ =	shalt  }
0x78: {  	_ =	shalt  }
0x79: {  	_ =	shalt  }
0x7a: {  	_ =	shalt  }
0x7b: {  	_ =	shalt  }
0x7c: {  	_ =	shalt  }
0x7d: {  	_ =	shalt  }
0x7e: {  	_ =	shalt  }
0x7f: {  	_ =	shalt  }
0x80: {  	_ =	shalt  }
0x81: {  	_ =	shalt  }
0x82: {  	_ =	shalt  }
0x83: {  	_ =	shalt  }
0x84: {  	_ =	shalt  }
0x85: {  	_ =	shalt  }
0x86: {  	_ =	shalt  }
0x87: {  	_ =	shalt  }
.Lfunc_end0:
.L_simem_size_0:
called_computation_lowered:
.L_overlay_start_0:
0x88: {  	s2 =	sld [smem:$0x3FD9]  }
0x89: {  	s3 =	sld [smem:$0x3FFE];
	_ =	sdelay $0x1  }
0x8a: {  	s1 =	srdreg.scid  }
0x8b: {  	s0 =	sand.u32 $0x1, s1  }
0x8c: {  	s16 =	sshll.u32 s0, $0xA;
	s2 =	sadd.s32 s3, s2  }
0x8d: {  	s2 =	sadd.s32 s2, s16  }
0x8e: {  	[smem:$0x3FB9] =	sst s2  }
0x8f: {  	_ = 	snop  }
0x90: {  	(tm) =	ssettm $0x1  }
0x91: {  	s17 =	sld [smem:$0x3FFB];
	_ =	sdelay $0x3  }
0x92: {  	_ =	strace s17  }
0x93: {  	s2 =	sld [smem:$0x3FFC];
	_ =	sdelay $0x3  }
0x94: {  	_ =	strace s2  }
0x95: {  	s2 =	sld [smem:$0x3FFD];
	_ =	sdelay $0x3  }
0x96: {  	_ =	strace s2  }
0x97: {  	_ =	strace $0x8FFFFFFF  }
0x98: {  	s18 =	sld [smem:$0x3FDB];
	_ =	sdelay $0x1  }
0x99: {  	s19 =	simm.s32 $_scs_section_size  }
0x9a: {  	s4 =	simm.s32 $_size__tile_overlayer_lowered;
	s5 =	simm.s32 $_tile_overlayer_lowered  }
0x9b: {  	s22 =	simm.s32 $0x1BFF;
	s21 =	sshll.u32 s5, $0x1;
	s2 =	sadd.s32 s19, s18  }
0x9c: {  	s6 =	simm.s32 $0x0;
	s20 =	sshll.u32 s4, $0x1;
	s4 =	sadd.s32 s21, s2  }
0x9d: {  	[timem:s6], [sflag:s22] =	dma.local [hbm:s4], s20  }
0x9e: {  	_ =	swait.ge [sflag:s22], s20  }
0x9f: {  	s3 =	ssub.s32 $0x0, s20;
	[sflag:s22] =	ssyncset.done $0x0  }
0xa0: {  	[sflag:s22] =	ssyncadd.s32 s3;
	_ =	sdelay $0x1  }
0xa1: {  	s23 =	simm.s32 $0x1B8B  }
0xa2: {  	_ =	swait.ge [sflag:s23], $0x1  }
0xa3: {  	[sflag:s23] =	ssyncset.done $0x0  }
0xa4: {  	s25 =	simm.s32 $0x1B8E;
	s24 =	sld [smem:$0x3FFE];
	[sflag:s23] =	ssyncadd.s32 $0xFFFFFFFF  }
0xa5: {  	s26 =	simm.s32 $execute0_lowered;
	[smem:$0x3FD2] =	sst s25  }
0xa6: {  	s4 =	sshll.u32 s26, $0x1;
	_ =	strace $0x80000046;
	[dreg:$0x1] =	wrdreg $0xFFFFFFFF  }
0xa7: {  	s28 =	simm.s32 $_size_execute0_lowered;
	s2 =	sadd.s32 s2, s4;
	[dreg:$0x0] =	wrdreg $0x0  }
0xa8: {  	s4 =	sshll.u32 s28, $0x1;
	[dreg:$0x2] =	wrdreg s2  }
0xa9: {  	[dreg:$0x3] =	wrdreg s4  }
0xaa: {  	[dreg:$0x4] =	wrdreg $0xC0  }
0xab: {  	_ =	task [dreg:s6], $0x5FFFF  }
0xac: {  	[dreg:$0x1] =	wrdreg $0xFFFFFFFF  }
0xad: {  	[dreg:$0x0] =	wrdreg $0x60  }
0xae: {  	[dreg:$0x2] =	wrdreg s24  }
0xaf: {  	[dreg:$0x3] =	wrdreg $0x9  }
0xb0: {  	_ =	task.clear_ibuf [dreg:s6], $0x4FFFF;
	_ =	strace $0x90000046  }
0xb1: {  	s29 =	simm.s32 $0x9;
	_ =	strace $0x80000048  }
0xb2: {  	_ =	swait.ge [sflag:s29], $0x1  }
0xb3: {  	[sflag:s29] =	ssyncadd.s32 $0xFFFFFFFF  }
0xb4: {  	_ =	strace $0x90000048  }
0xb5: {  	_ =	sfence  }
0xb6: {  	s30 =	sld [smem:$0x0];
	_ =	sdelay $0x2  }
0xb7: {  	s31 =	sshll.u32 s1, $0xD;
	s1 =	sshrl.u32 s1, $0x2  }
0xb8: {  	s3 =	sand.u32 $0x4000, s31;
	s1 =	sadd.s32 s1, s30  }
0xb9: {  	s0 =	sor.u32 s3, s0;
	s1 =	sshll.u32 s1, $0x11  }
0xba: {  	s0 =	sor.u32 s1, s0  }
0xbb: {  	s0 =	sadd.s32 $0x8F2B, s0  }
0xbc: {  	[sflag:s0] =	ssyncadd.remote.s32 $0x1  }
0xbd: {  	_ =	sfence.sel $0xFFFF  }
0xbe: {  	[dreg:$0x0] =	wrdreg $0xFFFFFFFF;
	(pc) =	sbr.abs _section_cstart, $3  }
0xbf: {  	[dreg:$0x1] =	wrdreg $0xFFFFFFFF  }
0xc0: {  	_ =	task.clear_ibuf [dreg:s6], $0x2FFFF;
	_ =	strace $0x9FFFFFFF  }
0xc1: {  	(tm) =	ssettm $0x7FFFFFFF  }
tec
execute0_lowered:
.L_overlay_start_1:
0x0: {  	(tag) =	ssettag $0x1  }
0x1: {  	s0 =	srdreg.scid  }
0x2: {  	s2 =	stileid.u32;
	s1 =	rddreg [dreg:$0x0];
	s12 =	simm.s32 $0x0  }
0x3: {  	s19 =	simm.s32 $0x60;
	s7 =	simm.s32 $0x260;
	s20 =	simm.s32 $0x38  }
0x4: {  	s21 =	simm.s32 $0x1A60;
	s22 =	simm.s32 $0x98;
	s8 =	simm.s32 $0x2860  }
0x5: {  	s23 =	simm.s32 $0xF8;
	s24 =	simm.s32 $0x4060;
	s25 =	simm.s32 $0x130  }
0x6: {  	s9 =	simm.s32 $0x4E60;
	s26 =	simm.s32 $0x190;
	s28 =	simm.s32 $0x6660  }
0x7: {  	s29 =	simm.s32 $0x1C8;
	p0 =	por $0x0, $0x0;
	s10 =	simm.s32 $0x7460  }
0x8: {  	s30 =	simm.s32 $0x228;
	s0 =	sand.u32 $0x1, s0;
	s2 =	sshll.u32 s2, $0x1  }
0x9: {  	s31 =	simm.s32 $0x8C60;
	s2 =	sor.u32 s0, s2;
	s0 =	ssub.s32 $0x2, s0  }
0xa: {  	s18 =	simm.s32 $0x1;
	s11 =	simm.s32 $0x40;
	s4 =	sshrl.u32 s0, $0x1  }
0xb: {  	s13 =	simm.s32 $0x100;
	[smem:$0x7FF] =	sst s12;
	s0 =	ssub.s32 s0, s4  }
0xc: {  	s17 =	sadd.s32 $0x6E1500, s1;
	s3 =	smul.u32 $0x4C, s2;
	s0 =	smax.u32 s0, $0x1  }
0xd: {  	s16 =	sadd.s32 $0x7A4A00, s1;
	s2 =	smul.u32 $0x1300, s2;
	p1 =	sne.s32 s0, $0x1  }
.Ltmp0:
0xe: {  	s14 =	sadd.s32 $0x61E000, s1;
	s15 =	sadd.s32 $0x867F00, s1;
	(pc) =	sbr.rel @!p1 .LBB2_3-.Ltmp0, $4  }
0xf: {  	_ =	strace $0x80000047;
	s3 =	sadd.s32 s3, s1;
	s2 =	sadd.s32 s2, s1  }
0x10: {  	s3 =	sadd.s32 $0x2E00, s3;
	s6 =	sadd.s32 $0x3800, s2;
	s5 =	sadd.s32 $0x3808, s2  }
0x11: {  	s4 =	sadd.s32 $0x3810, s2;
	s1 =	sadd.s32 $0xFFFFFFFF, s0;
	[dreg:$0x2] =	wrdreg s3  }
0x12: {  	s3 =	sadd.s32 $0x3818, s2;
	s2 =	simm.s32 $0x2;
	s0 =	rddreg [dreg:$0x2]  }
0x13: {  	[tilespmem:s12], [sflag:$0x2] =	stream.linear.gather [hbm4b:s0+s12], $0x260, $0x38;
	[tilespmem:$0x9A60] =	vst v63  }
0x14: {  	_ =	swait.ge [sflag:s2], $0x260  }
0x15: {  	[sflag:s2] =	ssyncset.done $0x0  }
0x16: {  	[sflag:s2] =	ssyncadd.s32 $0xFFFFFDA0  }
0x17: {  	[tilespmem:s7], [sflag:$0x1] =	stream.indirect.gather [hbm4b:s14+s19], $0x40, s12, s19, $0xb8;
	[tilespmem:$0x9A60] =	vst v63  }
0x18: {  	_ = 	snop  }
0x19: {  	[tilespmem:s21], [sflag:$0x1] =	stream.indirect.gather [hbm4b:s14+s20], $0x40, s19, s20, $0xb8;
	[tilespmem:$0x9A60] =	vst v63  }
0x1a: {  	_ = 	snop  }
0x1b: {  	[tilespmem:s8], [sflag:$0x1] =	stream.indirect.gather [hbm4b:s17+s19], $0x40, s22, s19, $0xb8;
	[tilespmem:$0x9A60] =	vst v63  }
0x1c: {  	_ = 	snop  }
0x1d: {  	[tilespmem:s24], [sflag:$0x1] =	stream.indirect.gather [hbm4b:s17+s20], $0x40, s23, s20, $0xb8;
	[tilespmem:$0x9A60] =	vst v63  }
0x1e: {  	_ = 	snop  }
0x1f: {  	[tilespmem:s9], [sflag:$0x1] =	stream.indirect.gather [hbm4b:s16+s19], $0x40, s25, s19, $0xb8;
	[tilespmem:$0x9A60] =	vst v63  }
0x20: {  	_ = 	snop  }
0x21: {  	[tilespmem:s28], [sflag:$0x1] =	stream.indirect.gather [hbm4b:s16+s20], $0x40, s26, s20, $0xb8;
	[tilespmem:$0x9A60] =	vst v63  }
0x22: {  	_ = 	snop  }
0x23: {  	[tilespmem:s10], [sflag:$0x1] =	stream.indirect.gather [hbm4b:s15+s19], $0x40, s29, s19, $0xb8;
	[tilespmem:$0x9A60] =	vst v63  }
0x24: {  	_ = 	snop  }
0x25: {  	[tilespmem:s31], [sflag:$0x1] =	stream.indirect.gather [hbm4b:s15+s20], $0x40, s30, s20, $0xb8;
	[tilespmem:$0x9A60] =	vst v63  }
0x26: {  	_ =	swait.ge [sflag:s18], $0x1800  }
0x27: {  	[sflag:s18] =	ssyncset.done $0x0  }
0x28: {  	[sflag:s18] =	ssyncadd.s32 $0xFFFFE800  }
0x29: {  	_ =	swait.ge [sflag:s18], $0xE00  }
0x2a: {  	[sflag:s18] =	ssyncset.done $0x0  }
0x2b: {  	[sflag:s18] =	ssyncadd.s32 $0xFFFFF200  }
0x2c: {  	_ =	swait.ge [sflag:s18], $0x1800  }
0x2d: {  	[sflag:s18] =	ssyncset.done $0x0  }
0x2e: {  	[sflag:s18] =	ssyncadd.s32 $0xFFFFE800  }
0x2f: {  	_ =	swait.ge [sflag:s18], $0xE00  }
0x30: {  	[sflag:s18] =	ssyncset.done $0x0  }
0x31: {  	[sflag:s18] =	ssyncadd.s32 $0xFFFFF200  }
0x32: {  	_ =	swait.ge [sflag:s18], $0x1800  }
0x33: {  	[sflag:s18] =	ssyncset.done $0x0  }
0x34: {  	[sflag:s18] =	ssyncadd.s32 $0xFFFFE800  }
0x35: {  	_ =	swait.ge [sflag:s18], $0xE00  }
0x36: {  	[sflag:s18] =	ssyncset.done $0x0  }
0x37: {  	[sflag:s18] =	ssyncadd.s32 $0xFFFFF200  }
0x38: {  	_ =	swait.ge [sflag:s18], $0x1800  }
0x39: {  	[sflag:s18] =	ssyncset.done $0x0  }
0x3a: {  	[sflag:s18] =	ssyncadd.s32 $0xFFFFE800  }
0x3b: {  	_ =	swait.ge [sflag:s18], $0xE00  }
0x3c: {  	[sflag:s18] =	ssyncset.done $0x0  }
0x3d: {  	[sflag:s18] =	ssyncadd.s32 $0xFFFFF200  }
0x3e: {  	[hbm4b:s6+s11] =	stream.strided.scatter [tilespmem:s7], [sflag:$0x2], $0x2600, s13, s11, $0x38;
	[tilespmem:$0x9A60] =	vst v63  }
0x3f: {  	_ =	swait.ge [sflag:s2], $0x2600  }
0x40: {  	[sflag:s2] =	ssyncset.done $0x0  }
0x41: {  	[sflag:s2] =	ssyncadd.s32 $0xFFFFDA00  }
0x42: {  	[hbm4b:s5+s11] =	stream.strided.scatter [tilespmem:s8], [sflag:$0x2], $0x2600, s13, s11, $0x38;
	[tilespmem:$0x9A60] =	vst v63  }
0x43: {  	_ =	swait.ge [sflag:s2], $0x2600  }
0x44: {  	[sflag:s2] =	ssyncset.done $0x0  }
0x45: {  	[sflag:s2] =	ssyncadd.s32 $0xFFFFDA00  }
0x46: {  	[hbm4b:s4+s11] =	stream.strided.scatter [tilespmem:s9], [sflag:$0x2], $0x2600, s13, s11, $0x38;
	[tilespmem:$0x9A60] =	vst v63  }
0x47: {  	p1 =	sne.s32 s1, $0x1;
	_ =	swait.ge [sflag:s2], $0x2600  }
.Ltmp1:
0x48: {  	[sflag:s2] =	ssyncset.done $0x0;
	(pc) =	sbr.rel @!p1 .LBB2_3-.Ltmp1, $4  }
0x49: {  	[sflag:s2] =	ssyncadd.s32 $0xFFFFDA00  }
0x4a: {  	[hbm4b:s3+s11] =	stream.strided.scatter [tilespmem:s10], [sflag:$0x2], $0x2600, s13, s11, $0x38;
	[tilespmem:$0x9A60] =	vst v63  }
0x4b: {  	s1 =	sadd.s32 $0xFFFFFFFF, s1;
	_ =	swait.ge [sflag:s2], $0x2600  }
0x4c: {  	p0 =	por $0x1, $0x1;
	s0 =	rddreg [dreg:$0x2];
	[sflag:s2] =	ssyncset.done $0x0  }
.LBB2_2:
0x4d: {  	[sflag:s2] =	ssyncadd.s32 $0xFFFFDA00  }
0x4e: {  	[tilespmem:s12], [sflag:$0x2] =	stream.linear.gather [hbm4b:s0+s12], $0x260, $0x38;
	[tilespmem:$0x9A60] =	vst v63  }
0x4f: {  	_ =	swait.ge [sflag:s2], $0x260  }
0x50: {  	[sflag:s2] =	ssyncset.done $0x0  }
0x51: {  	[sflag:s2] =	ssyncadd.s32 $0xFFFFFDA0  }
0x52: {  	[tilespmem:s7], [sflag:$0x1] =	stream.indirect.gather [hbm4b:s14+s19], $0x40, s12, s19, $0xb8;
	[tilespmem:$0x9A60] =	vst v63  }
0x53: {  	_ = 	snop  }
0x54: {  	[tilespmem:s21], [sflag:$0x1] =	stream.indirect.gather [hbm4b:s14+s20], $0x40, s19, s20, $0xb8;
	[tilespmem:$0x9A60] =	vst v63  }
0x55: {  	_ = 	snop  }
0x56: {  	[tilespmem:s8], [sflag:$0x1] =	stream.indirect.gather [hbm4b:s17+s19], $0x40, s22, s19, $0xb8;
	[tilespmem:$0x9A60] =	vst v63  }
0x57: {  	_ = 	snop  }
0x58: {  	[tilespmem:s24], [sflag:$0x1] =	stream.indirect.gather [hbm4b:s17+s20], $0x40, s23, s20, $0xb8;
	[tilespmem:$0x9A60] =	vst v63  }
0x59: {  	_ = 	snop  }
0x5a: {  	[tilespmem:s9], [sflag:$0x1] =	stream.indirect.gather [hbm4b:s16+s19], $0x40, s25, s19, $0xb8;
	[tilespmem:$0x9A60] =	vst v63  }
0x5b: {  	_ = 	snop  }
0x5c: {  	[tilespmem:s28], [sflag:$0x1] =	stream.indirect.gather [hbm4b:s16+s20], $0x40, s26, s20, $0xb8;
	[tilespmem:$0x9A60] =	vst v63  }
0x5d: {  	_ = 	snop  }
0x5e: {  	[tilespmem:s10], [sflag:$0x1] =	stream.indirect.gather [hbm4b:s15+s19], $0x40, s29, s19, $0xb8;
	[tilespmem:$0x9A60] =	vst v63  }
0x5f: {  	_ = 	snop  }
0x60: {  	[tilespmem:s31], [sflag:$0x1] =	stream.indirect.gather [hbm4b:s15+s20], $0x40, s30, s20, $0xb8;
	[tilespmem:$0x9A60] =	vst v63  }
0x61: {  	_ =	swait.ge [sflag:s18], $0x1800  }
0x62: {  	[sflag:s18] =	ssyncset.done $0x0  }
0x63: {  	[sflag:s18] =	ssyncadd.s32 $0xFFFFE800  }
0x64: {  	_ =	swait.ge [sflag:s18], $0xE00  }
0x65: {  	[sflag:s18] =	ssyncset.done $0x0  }
0x66: {  	[sflag:s18] =	ssyncadd.s32 $0xFFFFF200  }
0x67: {  	_ =	swait.ge [sflag:s18], $0x1800  }
0x68: {  	[sflag:s18] =	ssyncset.done $0x0  }
0x69: {  	[sflag:s18] =	ssyncadd.s32 $0xFFFFE800  }
0x6a: {  	_ =	swait.ge [sflag:s18], $0xE00  }
0x6b: {  	[sflag:s18] =	ssyncset.done $0x0  }
0x6c: {  	[sflag:s18] =	ssyncadd.s32 $0xFFFFF200  }
0x6d: {  	_ =	swait.ge [sflag:s18], $0x1800  }
0x6e: {  	[sflag:s18] =	ssyncset.done $0x0  }
0x6f: {  	[sflag:s18] =	ssyncadd.s32 $0xFFFFE800  }
0x70: {  	_ =	swait.ge [sflag:s18], $0xE00  }
0x71: {  	[sflag:s18] =	ssyncset.done $0x0  }
0x72: {  	[sflag:s18] =	ssyncadd.s32 $0xFFFFF200  }
0x73: {  	_ =	swait.ge [sflag:s18], $0x1800  }
0x74: {  	[sflag:s18] =	ssyncset.done $0x0  }
0x75: {  	[sflag:s18] =	ssyncadd.s32 $0xFFFFE800  }
0x76: {  	_ =	swait.ge [sflag:s18], $0xE00  }
0x77: {  	[sflag:s18] =	ssyncset.done $0x0  }
0x78: {  	[sflag:s18] =	ssyncadd.s32 $0xFFFFF200  }
0x79: {  	[hbm4b:s6+s11] =	stream.strided.scatter [tilespmem:s7], [sflag:$0x2], $0x2600, s13, s11, $0x38;
	[tilespmem:$0x9A60] =	vst v63  }
0x7a: {  	_ =	swait.ge [sflag:s2], $0x2600  }
0x7b: {  	[sflag:s2] =	ssyncset.done $0x0  }
0x7c: {  	[sflag:s2] =	ssyncadd.s32 $0xFFFFDA00  }
0x7d: {  	[hbm4b:s5+s11] =	stream.strided.scatter [tilespmem:s8], [sflag:$0x2], $0x2600, s13, s11, $0x38;
	[tilespmem:$0x9A60] =	vst v63  }
0x7e: {  	_ =	swait.ge [sflag:s2], $0x2600  }
0x7f: {  	[sflag:s2] =	ssyncset.done $0x0  }
0x80: {  	[sflag:s2] =	ssyncadd.s32 $0xFFFFDA00  }
0x81: {  	[hbm4b:s4+s11] =	stream.strided.scatter [tilespmem:s9], [sflag:$0x2], $0x2600, s13, s11, $0x38;
	[tilespmem:$0x9A60] =	vst v63  }
0x82: {  	p1 =	sne.s32 s1, $0x1;
	_ =	swait.ge [sflag:s2], $0x2600  }
.Ltmp2:
0x83: {  	[sflag:s2] =	ssyncset.done $0x0;
	(pc) =	sbr.rel @p1 .LBB2_2-.Ltmp2, $4  }
0x84: {  	[sflag:s2] =	ssyncadd.s32 $0xFFFFDA00  }
0x85: {  	[hbm4b:s3+s11] =	stream.strided.scatter [tilespmem:s10], [sflag:$0x2], $0x2600, s13, s11, $0x38;
	[tilespmem:$0x9A60] =	vst v63  }
0x86: {  	_ =	swait.ge [sflag:s2], $0x2600  }
0x87: {  	s1 =	sadd.s32 $0xFFFFFFFF, s1;
	s0 =	rddreg [dreg:$0x2];
	[sflag:s2] =	ssyncset.done $0x0  }
.LBB2_3:
0x88: {  	[sflag:s2] =	ssyncadd.s32 @p0 $0xFFFFDA00  }
0x89: {  	[tilespmem:s12], [sflag:$0x2] =	stream.linear.gather [hbm4b:s0+s12], $0x260, $0x38;
	[tilespmem:$0x9A60] =	vst v63  }
0x8a: {  	_ =	swait.ge [sflag:s2], $0x260  }
0x8b: {  	[sflag:s2] =	ssyncset.done $0x0  }
0x8c: {  	[sflag:s2] =	ssyncadd.s32 $0xFFFFFDA0  }
0x8d: {  	[tilespmem:s7], [sflag:$0x1] =	stream.indirect.gather [hbm4b:s14+s19], $0x40, s12, s19, $0xb8;
	[tilespmem:$0x9A60] =	vst v63  }
0x8e: {  	_ = 	snop  }
0x8f: {  	[tilespmem:s21], [sflag:$0x1] =	stream.indirect.gather [hbm4b:s14+s20], $0x40, s19, s20, $0xb8;
	[tilespmem:$0x9A60] =	vst v63  }
0x90: {  	_ = 	snop  }
0x91: {  	[tilespmem:s8], [sflag:$0x1] =	stream.indirect.gather [hbm4b:s17+s19], $0x40, s22, s19, $0xb8;
	[tilespmem:$0x9A60] =	vst v63  }
0x92: {  	_ = 	snop  }
0x93: {  	[tilespmem:s24], [sflag:$0x1] =	stream.indirect.gather [hbm4b:s17+s20], $0x40, s23, s20, $0xb8;
	[tilespmem:$0x9A60] =	vst v63  }
0x94: {  	_ = 	snop  }
0x95: {  	[tilespmem:s9], [sflag:$0x1] =	stream.indirect.gather [hbm4b:s16+s19], $0x40, s25, s19, $0xb8;
	[tilespmem:$0x9A60] =	vst v63  }
0x96: {  	_ = 	snop  }
0x97: {  	[tilespmem:s28], [sflag:$0x1] =	stream.indirect.gather [hbm4b:s16+s20], $0x40, s26, s20, $0xb8;
	[tilespmem:$0x9A60] =	vst v63  }
0x98: {  	_ = 	snop  }
0x99: {  	[tilespmem:s10], [sflag:$0x1] =	stream.indirect.gather [hbm4b:s15+s19], $0x40, s29, s19, $0xb8;
	[tilespmem:$0x9A60] =	vst v63  }
0x9a: {  	_ = 	snop  }
0x9b: {  	[tilespmem:s31], [sflag:$0x1] =	stream.indirect.gather [hbm4b:s15+s20], $0x40, s30, s20, $0xb8;
	[tilespmem:$0x9A60] =	vst v63  }
0x9c: {  	_ =	swait.ge [sflag:s18], $0x1800  }
0x9d: {  	[sflag:s18] =	ssyncset.done $0x0  }
0x9e: {  	[sflag:s18] =	ssyncadd.s32 $0xFFFFE800  }
0x9f: {  	_ =	swait.ge [sflag:s18], $0xE00  }
0xa0: {  	[sflag:s18] =	ssyncset.done $0x0  }
0xa1: {  	[sflag:s18] =	ssyncadd.s32 $0xFFFFF200  }
0xa2: {  	_ =	swait.ge [sflag:s18], $0x1800  }
0xa3: {  	[sflag:s18] =	ssyncset.done $0x0  }
0xa4: {  	[sflag:s18] =	ssyncadd.s32 $0xFFFFE800  }
0xa5: {  	_ =	swait.ge [sflag:s18], $0xE00  }
0xa6: {  	[sflag:s18] =	ssyncset.done $0x0  }
0xa7: {  	[sflag:s18] =	ssyncadd.s32 $0xFFFFF200  }
0xa8: {  	_ =	swait.ge [sflag:s18], $0x1800  }
0xa9: {  	[sflag:s18] =	ssyncset.done $0x0  }
0xaa: {  	[sflag:s18] =	ssyncadd.s32 $0xFFFFE800  }
0xab: {  	_ =	swait.ge [sflag:s18], $0xE00  }
0xac: {  	[sflag:s18] =	ssyncset.done $0x0  }
0xad: {  	[sflag:s18] =	ssyncadd.s32 $0xFFFFF200  }
0xae: {  	_ =	swait.ge [sflag:s18], $0x1800  }
0xaf: {  	[sflag:s18] =	ssyncset.done $0x0  }
0xb0: {  	[sflag:s18] =	ssyncadd.s32 $0xFFFFE800  }
0xb1: {  	_ =	swait.ge [sflag:s18], $0xE00  }
0xb2: {  	[sflag:s18] =	ssyncset.done $0x0  }
0xb3: {  	[sflag:s18] =	ssyncadd.s32 $0xFFFFF200  }
0xb4: {  	[hbm4b:s6+s11] =	stream.strided.scatter [tilespmem:s7], [sflag:$0x2], $0x2600, s13, s11, $0x38;
	[tilespmem:$0x9A60] =	vst v63  }
0xb5: {  	_ =	swait.ge [sflag:s2], $0x2600  }
0xb6: {  	[sflag:s2] =	ssyncset.done $0x0  }
0xb7: {  	[sflag:s2] =	ssyncadd.s32 $0xFFFFDA00  }
0xb8: {  	[hbm4b:s5+s11] =	stream.strided.scatter [tilespmem:s8], [sflag:$0x2], $0x2600, s13, s11, $0x38;
	[tilespmem:$0x9A60] =	vst v63  }
0xb9: {  	_ =	swait.ge [sflag:s2], $0x2600  }
0xba: {  	[sflag:s2] =	ssyncset.done $0x0  }
0xbb: {  	[sflag:s2] =	ssyncadd.s32 $0xFFFFDA00  }
0xbc: {  	[hbm4b:s4+s11] =	stream.strided.scatter [tilespmem:s9], [sflag:$0x2], $0x2600, s13, s11, $0x38;
	[tilespmem:$0x9A60] =	vst v63  }
0xbd: {  	_ =	swait.ge [sflag:s2], $0x2600  }
0xbe: {  	[sflag:s2] =	ssyncset.done $0x0  }
0xbf: {  	[sflag:s2] =	ssyncadd.s32 $0xFFFFDA00  }
0xc0: {  	[hbm4b:s3+s11] =	stream.strided.scatter [tilespmem:s10], [sflag:$0x2], $0x2600, s13, s11, $0x38;
	[tilespmem:$0x9A60] =	vst v63  }
0xc1: {  	_ =	swait.ge [sflag:s2], $0x2600  }
0xc2: {  	[sflag:s2] =	ssyncset.done $0x0  }
0xc3: {  	[sflag:s2] =	ssyncadd.s32 $0xFFFFDA00  }
0xc4: {  	_ =	sfence.sel $0x180000  }
0xc5: {  	[bflag:$0x0] =	sbarrier.arrive $0xFFFF  }
0xc6: {  	_ =	strace $0x90000047  }
0xc7: {  	s31 =	stileid.u32;
	[bflag:$0x2] =	sbarrier.arrive $0xFFFF  }
0xc8: {  	p0 =	sne.s32 s31, $0x0;
	s0 =	rddreg [dreg:$0x1]  }
0xc9: {  	s0 =	sadd.s32 @!p0 $0x100000, s0  }
0xca: {  	[sflag:s0] =	ssyncadd.tile.s32 @!p0 $0x1;
	_ =	shalt  }
.Lfunc_end2:
_tile_overlayer_lowered:
.L_overlay_start_2:
0xcb: {  	(tag) =	ssettag $0x2  }
0xcc: {  	s0 =	rddreg [dreg:$0x0];
	s2 =	stileid.u32  }
0xcd: {  	s1 =	rddreg [dreg:$0x1];
	p0 =	sne.s32 s2, $0x0  }
0xce: {  	s3 =	rddreg [dreg:$0x2];
	[bflag:$0x3] =	sbarrier.arrive $0xFFFF;
	s2 =	simm.s32 @!p0 $0x1C02  }
0xcf: {  	[timem:s3], [sflag:s2] =	dma.local @!p0 [hbm:s0], s1  }
0xd0: {  	s0 =	simm.s32 @!p0 $0x2  }
0xd1: {  	_ =	swait.ge @!p0 [sflag:s0], s1  }
0xd2: {  	s1 =	ssub.s32 @!p0 $0x0, s1;
	[sflag:s0] =	ssyncset.done @!p0 $0x0  }
0xd3: {  	[sflag:s0] =	ssyncadd.s32 @!p0 s1  }
0xd4: {  	[bflag:$0x3] =	sbarrier.arrive $0xFFFF  }
0xd5: {  	_ =	shalt  }

</sc_bundles>
